<compile_context>
chip_gen: v7x
topology: tpu7x:2x2x1
jax: 0.10.2.dev20260603
libtpu: 0.0.44.dev20260713+nightly
codegen_flags: <defaults>
</compile_context>

<pallas_src>
import functools
import jax
import jax.numpy as jnp
from jax import lax
from jax.experimental import pallas as pl
from jax.experimental.pallas import tpu as pltpu
from jax.experimental.pallas import tpu_sc as plsc

NREL = 4
N = 10000
E = 320000
D = 128
ROWS = 10240
DUMMY = 10100
NC, NS = 2, 16
NW = NC * NS
EPAD = 327680
EPW = EPAD // NW
CH = 128
NCH = EPW // CH
BE = 1024
GA = EPAD // BE
BN = 512
GB = ROWS // BN

_mesh = plsc.VectorSubcoreMesh(core_axis_name="c", subcore_axis_name="s")


@functools.partial(
    pl.kernel, mesh=_mesh,
    out_type=jax.ShapeDtypeStruct((EPAD, D), jnp.float32),
    scratch_types=[
        pltpu.VMEM((CH,), jnp.int32),
        pltpu.VMEM((CH, D), jnp.float32),
        pltpu.SemaphoreType.DMA,
    ],
)
def _sc_gather(x_hbm, src_hbm, out_hbm, idx_v, rows_v, sem):
  wid = lax.axis_index("s") * NC + lax.axis_index("c")
  base = wid * EPW

  @pl.loop(0, NCH)
  def _chunk(j):
    off = base + j * CH
    pltpu.sync_copy(src_hbm.at[pl.ds(off, CH)], idx_v)
    pltpu.async_copy(x_hbm.at[idx_v], rows_v, sem).wait()
    pltpu.sync_copy(rows_v, out_hbm.at[pl.ds(off, CH)])


@functools.partial(
    pl.kernel, mesh=_mesh,
    out_type=(jax.ShapeDtypeStruct((NC * NREL, ROWS, D), jnp.float32),
              jax.ShapeDtypeStruct((NC * NREL, ROWS, D), jnp.float32)),
    scratch_types=[
        pltpu.VMEM((CH,), jnp.int32),
        pltpu.VMEM((CH, D), jnp.float32),
        pltpu.VMEM((CH, D), jnp.float32),
        pltpu.VMEM_SHARED((ROWS, D), jnp.float32),
    ],
)
def _sc_scatter(msg_hbm, idx_hbm, zacc_hbm, ones_hbm,
                acc_out, cnt_out, idx_v, rows_v, ones_v, acc_sh):
  cid = lax.axis_index("c")
  sid = lax.axis_index("s")
  wid = sid * NC + cid
  base = wid * EPW
  pltpu.sync_copy(ones_hbm, ones_v)

  for r in range(NREL):
    @pl.when(sid == 0)
    def _zero():
      pltpu.sync_copy(zacc_hbm, acc_sh)
    plsc.subcore_barrier()

    @pl.loop(0, NCH)
    def _msgchunk(j):
      off = base + j * CH
      pltpu.sync_copy(idx_hbm.at[pl.ds(r * EPAD + off, CH)], idx_v)
      pltpu.sync_copy(msg_hbm.at[pl.ds(off, CH)], rows_v)
      pltpu.sync_copy(rows_v, acc_sh.at[idx_v], add=True)

    plsc.subcore_barrier()

    @pl.when(sid == 0)
    def _flush_zero():
      pltpu.sync_copy(acc_sh, acc_out.at[cid * NREL + r])
      pltpu.sync_copy(zacc_hbm, acc_sh)
    plsc.subcore_barrier()

    @pl.loop(0, NCH)
    def _cntchunk(j):
      off = base + j * CH
      pltpu.sync_copy(idx_hbm.at[pl.ds(r * EPAD + off, CH)], idx_v)
      pltpu.sync_copy(ones_v, acc_sh.at[idx_v], add=True)

    plsc.subcore_barrier()

    @pl.when(sid == 0)
    def _flush_cnt():
      pltpu.sync_copy(acc_sh, cnt_out.at[cid * NREL + r])


def _msg_body(xs_ref, xe_ref, dst_ref, typ_ref,
              msg_ref, i0_ref, i1_ref, i2_ref, i3_ref):
  msg_ref[...] = jnp.maximum(xs_ref[...] + xe_ref[...], 0.0)
  d = dst_ref[0, 0, :]
  t = typ_ref[0, 0, :]
  for r, ref in enumerate((i0_ref, i1_ref, i2_ref, i3_ref)):
    ref[0, 0, :] = jnp.where(t == r, d, DUMMY)


def _tc_msg(xs, xe_p, dst3, typ3):
  ispec = pl.BlockSpec((1, 1, BE), lambda i: (i, 0, 0))
  espec = pl.BlockSpec((BE, D), lambda i: (i, 0))
  return pl.pallas_call(
      _msg_body,
      grid=(GA,),
      in_specs=[espec, espec, ispec, ispec],
      out_specs=[espec, ispec, ispec, ispec, ispec],
      out_shape=[
          jax.ShapeDtypeStruct((EPAD, D), jnp.float32),
          jax.ShapeDtypeStruct((GA, 1, BE), jnp.int32),
          jax.ShapeDtypeStruct((GA, 1, BE), jnp.int32),
          jax.ShapeDtypeStruct((GA, 1, BE), jnp.int32),
          jax.ShapeDtypeStruct((GA, 1, BE), jnp.int32),
      ],
  )(xs, xe_p, dst3, typ3)


def _fin_body(acc_ref, scale_ref, x_ref, w_ref, root_ref, bias_ref, out_ref):
  acc = acc_ref[...]
  h = (acc[0] + acc[1]) * scale_ref[...]
  o = jnp.dot(x_ref[...], root_ref[...], preferred_element_type=jnp.float32)
  for r in range(NREL):
    o = o + jnp.dot(h[r], w_ref[r], preferred_element_type=jnp.float32)
  out_ref[...] = o + bias_ref[...]


def _tc_fin(acc, scale3, x_p, weight, root, bias2):
  return pl.pallas_call(
      _fin_body,
      grid=(GB,),
      in_specs=[
          pl.BlockSpec((NC, NREL, BN, D), lambda i: (0, 0, i, 0)),
          pl.BlockSpec((NREL, BN, D), lambda i: (0, i, 0)),
          pl.BlockSpec((BN, D), lambda i: (i, 0)),
          pl.BlockSpec((NREL, D, D), lambda i: (0, 0, 0)),
          pl.BlockSpec((D, D), lambda i: (0, 0)),
          pl.BlockSpec((1, D), lambda i: (0, 0)),
      ],
      out_specs=pl.BlockSpec((BN, D), lambda i: (i, 0)),
      out_shape=jax.ShapeDtypeStruct((ROWS, D), jnp.float32),
  )(acc, scale3, x_p, weight, root, bias2)


def kernel(x, xe, edge_index, edge_type, weight, root, bias):
  src = edge_index[0].astype(jnp.int32)
  dst = edge_index[1].astype(jnp.int32)
  typ = edge_type.astype(jnp.int32)
  pe = EPAD - E
  src_p = jnp.pad(src, (0, pe))
  dst_p = jnp.pad(dst, (0, pe))
  typ_p = jnp.pad(typ, (0, pe), constant_values=NREL)
  xe_p = jnp.pad(xe, ((0, pe), (0, 0)))

  xs = _sc_gather(x, src_p)
  msg, i0, i1, i2, i3 = _tc_msg(xs, xe_p,
                                dst_p.reshape(GA, 1, BE),
                                typ_p.reshape(GA, 1, BE))
  idx4 = jnp.concatenate([i0.reshape(EPAD), i1.reshape(EPAD),
                          i2.reshape(EPAD), i3.reshape(EPAD)])

  zacc = jnp.zeros((ROWS, D), jnp.float32)
  ones = jnp.ones((CH, D), jnp.float32)
  acc4, cnt4 = _sc_scatter(msg, idx4, zacc, ones)
  acc = acc4.reshape(NC, NREL, ROWS, D)
  cnt = cnt4.reshape(NC, NREL, ROWS, D)

  c = cnt[0, :, :, 0] + cnt[1, :, :, 0]
  scale = 1.0 / jnp.clip(c, 1.0, None)
  scale3 = jnp.broadcast_to(scale[:, :, None], (NREL, ROWS, D))
  x_p = jnp.pad(x, ((0, ROWS - N), (0, 0)))
  out_p = _tc_fin(acc, scale3, x_p, weight, root, bias.reshape(1, D))
  return out_p[:N]

# --- scband reference (transcript-rebuilt; emitter-appended) ---
"""Pipeline reference for scband-graph-att-model-80324478369831 (READ-ONLY COPY).

The authoritative reference and input builder live on the scoring server;
editing this copy changes nothing except your own understanding.
"""

import jax, jax.numpy as jnp
import numpy as np

NUM_RELATIONS = 4
IN_CHANNELS = 128
OUT_CHANNELS = 128
N_NODES = 10000
N_EDGES = 320000


def setup_inputs(seed: int = 0) -> dict:
    key = jax.random.key(seed)
    ks = jax.random.split(key, 8)
    x = jax.random.normal(ks[0], (N_NODES, IN_CHANNELS), dtype=jnp.float32)
    xe = jax.random.normal(ks[1], (N_EDGES, IN_CHANNELS), dtype=jnp.float32)
    edge_index = jax.random.randint(ks[2], (2, N_EDGES), 0, N_NODES, dtype=jnp.int64)
    edge_type = jax.random.randint(ks[3], (N_EDGES,), 0, NUM_RELATIONS, dtype=jnp.int64)
    # Learned parameters (glorot-ish scale)
    scale_w = float(np.sqrt(6.0 / (IN_CHANNELS + OUT_CHANNELS)))
    weight = jax.random.uniform(ks[4], (NUM_RELATIONS, IN_CHANNELS, OUT_CHANNELS), dtype=jnp.float32, minval=-scale_w, maxval=scale_w)
    root = jax.random.uniform(ks[5], (IN_CHANNELS, OUT_CHANNELS), dtype=jnp.float32, minval=-scale_w, maxval=scale_w)
    bias = jnp.zeros((OUT_CHANNELS,), dtype=jnp.float32)
    return {"x": x, "xe": xe, "edge_index": edge_index, "edge_type": edge_type, "weight": weight, "root": root, "bias": bias}


def reference(x, xe, edge_index, edge_type, weight, root, bias):
    # Faithful translation of RGCNEdgeConv.forward (PyG MessagePassing, aggr='mean').
    # message(x_j, xe) = relu(x[src] + xe); aggregate mean at dst; out += h @ W[r]
    N = x.shape[0]
    out = jnp.zeros((N, weight.shape[2]), dtype=x.dtype)
    src_all = edge_index[0]
    dst_all = edge_index[1]
    msg_all = jax.nn.relu(x[src_all] + xe)
    for r in range(NUM_RELATIONS):
        m = (edge_type == r).astype(x.dtype)
        summed = jnp.zeros((N, x.shape[1]), dtype=x.dtype).at[dst_all].add(msg_all * m[:, None])
        cnt = jnp.zeros((N,), dtype=x.dtype).at[dst_all].add(m)
        h = summed / jnp.clip(cnt, 1.0, None)[:, None]
        out = out + h @ weight[r]
    out = out + x @ root
    out = out + bias
    return out

if __name__ == "__main__":
    import jax
    _d = setup_inputs()
    print(jax.jit(kernel)(*tuple(_d.values())))

</pallas_src>

<mosaic_0001>
#map = affine_map<(d0, d1) -> (0, 0)>
#map1 = affine_map<(d0, d1) -> (0)>
#map2 = affine_map<(d0, d1) -> (0, 0, 0)>
module attributes {stable_mosaic.version = 14 : i64} {
  func.func @_sc_scatter(%arg0: i32, %arg1: i32, %arg2: memref<327680x128xf32, #tpu.memory_space<hbm>>, %arg3: memref<1310720xi32, #tpu.memory_space<hbm>>, %arg4: memref<10240x128xf32, #tpu.memory_space<hbm>>, %arg5: memref<128x128xf32, #tpu.memory_space<hbm>>, %arg6: memref<8x10240x128xf32, #tpu.memory_space<hbm>>, %arg7: memref<8x10240x128xf32, #tpu.memory_space<hbm>>, %arg8: memref<128xi32, #tpu.memory_space<vmem>>, %arg9: memref<128x128xf32, #tpu.memory_space<vmem>>, %arg10: memref<128x128xf32, #tpu.memory_space<vmem>>, %arg11: memref<10240x128xf32, #tpu.memory_space<vmem_shared>>) attributes {dimension_semantics = [#tpu.dimension_semantics<core_parallel>, #tpu.dimension_semantics<subcore_parallel>], iteration_bounds = array<i64: 2, 16>, scalar_prefetch = 0 : i64, scratch_operands = 4 : i64, tpu.core_type = #tpu.core_type<sc_vector_subcore>, window_params = [{transform_indices = #map}, {transform_indices = #map1}, {transform_indices = #map}, {transform_indices = #map}, {transform_indices = #map2}, {transform_indices = #map2}]} {
    %mul3A = arith.constant 2 : i32
    %mul3A_0 = arith.muli %arg1, %mul3A : i32
    %add3A = arith.addi %mul3A_0, %arg0 : i32
    %mul3A_1 = arith.constant 10240 : i32
    %mul3A_2 = arith.muli %add3A, %mul3A_1 : i32
    "tpu.region"() ({
      %run_scoped3A = tpu.sem_alloc : memref<!tpu.dma_semaphore, #tpu.memory_space<semaphore_mem>>
      tpu.enqueue_dma source(%arg5 : memref<128x128xf32, #tpu.memory_space<hbm>>) target(%arg10 : memref<128x128xf32, #tpu.memory_space<vmem>>) target_semaphore(%run_scoped3A : memref<!tpu.dma_semaphore, #tpu.memory_space<semaphore_mem>>)
      tpu.wait_dma2 semaphore(%run_scoped3A : memref<!tpu.dma_semaphore, #tpu.memory_space<semaphore_mem>>) src(%arg5 : memref<128x128xf32, #tpu.memory_space<hbm>>) dst(%arg10 : memref<128x128xf32, #tpu.memory_space<vmem>>)
      tpu.yield
    }) : () -> ()
    %eq3A = arith.constant 0 : i32
    %eq3A_3 = arith.cmpi eq, %arg1, %eq3A : i32
    %convert_element_type3A = arith.extui %eq3A_3 : i1 to i32
    %cond3A = arith.constant 0 : i32
    %cond3A_4 = arith.cmpi ne, %convert_element_type3A, %cond3A : i32
    scf.if %cond3A_4 {
      "tpu.region"() ({
        %run_scoped3A = tpu.sem_alloc : memref<!tpu.dma_semaphore, #tpu.memory_space<semaphore_mem>>
        tpu.enqueue_dma source(%arg4 : memref<10240x128xf32, #tpu.memory_space<hbm>>) target(%arg11 : memref<10240x128xf32, #tpu.memory_space<vmem_shared>>) target_semaphore(%run_scoped3A : memref<!tpu.dma_semaphore, #tpu.memory_space<semaphore_mem>>)
        tpu.wait_dma2 semaphore(%run_scoped3A : memref<!tpu.dma_semaphore, #tpu.memory_space<semaphore_mem>>) src(%arg4 : memref<10240x128xf32, #tpu.memory_space<hbm>>) dst(%arg11 : memref<10240x128xf32, #tpu.memory_space<vmem_shared>>)
        tpu.yield
      }) : () -> ()
    } else {
    }
    %barrier3A = arith.constant 0 : index
    tpu.barrier barrier_id(%barrier3A)
    %scan3A = arith.constant 0 : i32
    %scan3A_5 = arith.constant 80 : i32
    %scan3A_6 = arith.addi %scan3A, %scan3A_5 : i32
    %scan3A_7 = arith.constant 1 : i32
    scf.for %scan3A_114 = %scan3A to %scan3A_6 step %scan3A_7  : i32 {
      %mul3A_115 = arith.constant 1 : i32
      %mul3A_116 = arith.muli %scan3A_114, %mul3A_115 : i32
      %add3A_117 = arith.constant 0 : i32
      %add3A_118 = arith.addi %add3A_117, %mul3A_116 : i32
      %mul3A_119 = arith.constant 128 : i32
      %mul3A_120 = arith.muli %add3A_118, %mul3A_119 : i32
      %add3A_121 = arith.addi %mul3A_2, %mul3A_120 : i32
      %add3A_122 = arith.constant 0 : i32
      %add3A_123 = arith.addi %add3A_122, %add3A_121 : i32
      "tpu.region"() ({
        %run_scoped3A = tpu.sem_alloc : memref<!tpu.dma_semaphore, #tpu.memory_space<semaphore_mem>>
        %dma_start3A = tpu.memref_slice %arg3[%add3A_123] : memref<1310720xi32, #tpu.memory_space<hbm>> -> memref<128xi32, #tpu.memory_space<hbm>>
        %dma_start3A_124 = tpu.memref_slice %arg3[%add3A_123] : memref<1310720xi32, #tpu.memory_space<hbm>> -> memref<128xi32, #tpu.memory_space<hbm>>
        tpu.enqueue_dma source(%dma_start3A_124 : memref<128xi32, #tpu.memory_space<hbm>>) target(%arg8 : memref<128xi32, #tpu.memory_space<vmem>>) target_semaphore(%run_scoped3A : memref<!tpu.dma_semaphore, #tpu.memory_space<semaphore_mem>>)
        %dma_wait3A = tpu.memref_slice %arg3[%add3A_123] : memref<1310720xi32, #tpu.memory_space<hbm>> -> memref<128xi32, #tpu.memory_space<hbm>>
        %dma_wait3A_125 = tpu.memref_slice %arg3[%add3A_123] : memref<1310720xi32, #tpu.memory_space<hbm>> -> memref<128xi32, #tpu.memory_space<hbm>>
        tpu.wait_dma2 semaphore(%run_scoped3A : memref<!tpu.dma_semaphore, #tpu.memory_space<semaphore_mem>>) src(%dma_wait3A_125 : memref<128xi32, #tpu.memory_space<hbm>>) dst(%arg8 : memref<128xi32, #tpu.memory_space<vmem>>)
        tpu.yield
      }) : () -> ()
      "tpu.region"() ({
        %run_scoped3A = tpu.sem_alloc : memref<!tpu.dma_semaphore, #tpu.memory_space<semaphore_mem>>
        %dma_start3A = arith.constant 0 : i32
        %dma_start3A_124 = tpu.memref_slice %arg2[%add3A_121, %dma_start3A] : memref<327680x128xf32, #tpu.memory_space<hbm>> -> memref<128x128xf32, #tpu.memory_space<hbm>>
        %dma_start3A_125 = arith.constant 0 : i32
        %dma_start3A_126 = tpu.memref_slice %arg2[%add3A_121, %dma_start3A_125] : memref<327680x128xf32, #tpu.memory_space<hbm>> -> memref<128x128xf32, #tpu.memory_space<hbm>>
        tpu.enqueue_dma source(%dma_start3A_126 : memref<128x128xf32, #tpu.memory_space<hbm>>) target(%arg9 : memref<128x128xf32, #tpu.memory_space<vmem>>) target_semaphore(%run_scoped3A : memref<!tpu.dma_semaphore, #tpu.memory_space<semaphore_mem>>)
        %dma_wait3A = arith.constant 0 : i32
        %dma_wait3A_127 = tpu.memref_slice %arg2[%add3A_121, %dma_wait3A] : memref<327680x128xf32, #tpu.memory_space<hbm>> -> memref<128x128xf32, #tpu.memory_space<hbm>>
        %dma_wait3A_128 = arith.constant 0 : i32
        %dma_wait3A_129 = tpu.memref_slice %arg2[%add3A_121, %dma_wait3A_128] : memref<327680x128xf32, #tpu.memory_space<hbm>> -> memref<128x128xf32, #tpu.memory_space<hbm>>
        tpu.wait_dma2 semaphore(%run_scoped3A : memref<!tpu.dma_semaphore, #tpu.memory_space<semaphore_mem>>) src(%dma_wait3A_129 : memref<128x128xf32, #tpu.memory_space<hbm>>) dst(%arg9 : memref<128x128xf32, #tpu.memory_space<vmem>>)
        tpu.yield
      }) : () -> ()
      "tpu.region"() ({
        %run_scoped3A = tpu.sem_alloc : memref<!tpu.dma_semaphore, #tpu.memory_space<semaphore_mem>>
        %dma_start3A = arith.constant 0 : i32
        %dma_start3A_124 = arith.constant 0 : i32
        %dma_start3A_125 = tpu.memref_slice %arg11[%dma_start3A, %dma_start3A_124] : memref<10240x128xf32, #tpu.memory_space<vmem_shared>> -> memref<10240x128xf32, #tpu.memory_space<vmem_shared>>
        tpu.enqueue_indirect_dma source(%arg9 : memref<128x128xf32, #tpu.memory_space<vmem>>) target(%dma_start3A_125 : memref<10240x128xf32, #tpu.memory_space<vmem_shared>>) offsets(%arg8 : memref<128xi32, #tpu.memory_space<vmem>>) semaphore(%run_scoped3A : memref<!tpu.dma_semaphore, #tpu.memory_space<semaphore_mem>>) {add = true}
        %dma_wait3A = arith.constant 0 : i32
        %dma_wait3A_126 = arith.constant 0 : i32
        %dma_wait3A_127 = tpu.memref_slice %arg11[%dma_wait3A, %dma_wait3A_126] : memref<10240x128xf32, #tpu.memory_space<vmem_shared>> -> memref<10240x128xf32, #tpu.memory_space<vmem_shared>>
        tpu.wait_indirect_dma semaphore(%run_scoped3A : memref<!tpu.dma_semaphore, #tpu.memory_space<semaphore_mem>>) src(%arg9 : memref<128x128xf32, #tpu.memory_space<vmem>>) dst(%dma_wait3A_127 : memref<10240x128xf32, #tpu.memory_space<vmem_shared>>)
        tpu.yield
      }) : () -> ()
    }
    %scan3A_8 = arith.constant 80 : i32
    %barrier3A_9 = arith.constant 0 : index
    tpu.barrier barrier_id(%barrier3A_9)
    %eq3A_10 = arith.constant 0 : i32
    %eq3A_11 = arith.cmpi eq, %arg1, %eq3A_10 : i32
    %convert_element_type3A_12 = arith.extui %eq3A_11 : i1 to i32
    %cond3A_13 = arith.constant 0 : i32
    %cond3A_14 = arith.cmpi ne, %convert_element_type3A_12, %cond3A_13 : i32
    scf.if %cond3A_14 {
      %mul3A_114 = arith.constant 4 : i32
      %mul3A_115 = arith.muli %arg0, %mul3A_114 : i32
      %add3A_116 = arith.constant 0 : i32
      %add3A_117 = arith.addi %mul3A_115, %add3A_116 : i32
      "tpu.region"() ({
        %run_scoped3A = tpu.sem_alloc : memref<!tpu.dma_semaphore, #tpu.memory_space<semaphore_mem>>
        %dma_start3A = arith.constant 0 : i32
        %dma_start3A_118 = arith.constant 0 : i32
        %dma_start3A_119 = tpu.memref_slice %arg6[%add3A_117, %dma_start3A, %dma_start3A_118] : memref<8x10240x128xf32, #tpu.memory_space<hbm>> -> memref<1x10240x128xf32, #tpu.memory_space<hbm>>
        %dma_start3A_120 = tpu.memref_squeeze %dma_start3A_119 : memref<1x10240x128xf32, #tpu.memory_space<hbm>> -> memref<10240x128xf32, #tpu.memory_space<hbm>>
        tpu.enqueue_dma source(%arg11 : memref<10240x128xf32, #tpu.memory_space<vmem_shared>>) target(%dma_start3A_120 : memref<10240x128xf32, #tpu.memory_space<hbm>>) target_semaphore(%run_scoped3A : memref<!tpu.dma_semaphore, #tpu.memory_space<semaphore_mem>>)
        %dma_wait3A = arith.constant 0 : i32
        %dma_wait3A_121 = arith.constant 0 : i32
        %dma_wait3A_122 = tpu.memref_slice %arg6[%add3A_117, %dma_wait3A, %dma_wait3A_121] : memref<8x10240x128xf32, #tpu.memory_space<hbm>> -> memref<1x10240x128xf32, #tpu.memory_space<hbm>>
        %dma_wait3A_123 = tpu.memref_squeeze %dma_wait3A_122 : memref<1x10240x128xf32, #tpu.memory_space<hbm>> -> memref<10240x128xf32, #tpu.memory_space<hbm>>
        tpu.wait_dma2 semaphore(%run_scoped3A : memref<!tpu.dma_semaphore, #tpu.memory_space<semaphore_mem>>) src(%arg11 : memref<10240x128xf32, #tpu.memory_space<vmem_shared>>) dst(%dma_wait3A_123 : memref<10240x128xf32, #tpu.memory_space<hbm>>)
        tpu.yield
      }) : () -> ()
      "tpu.region"() ({
        %run_scoped3A = tpu.sem_alloc : memref<!tpu.dma_semaphore, #tpu.memory_space<semaphore_mem>>
        tpu.enqueue_dma source(%arg4 : memref<10240x128xf32, #tpu.memory_space<hbm>>) target(%arg11 : memref<10240x128xf32, #tpu.memory_space<vmem_shared>>) target_semaphore(%run_scoped3A : memref<!tpu.dma_semaphore, #tpu.memory_space<semaphore_mem>>)
        tpu.wait_dma2 semaphore(%run_scoped3A : memref<!tpu.dma_semaphore, #tpu.memory_space<semaphore_mem>>) src(%arg4 : memref<10240x128xf32, #tpu.memory_space<hbm>>) dst(%arg11 : memref<10240x128xf32, #tpu.memory_space<vmem_shared>>)
        tpu.yield
      }) : () -> ()
    } else {
    }
    %barrier3A_15 = arith.constant 0 : index
    tpu.barrier barrier_id(%barrier3A_15)
    %scan3A_16 = arith.constant 0 : i32
    %scan3A_17 = arith.constant 80 : i32
    %scan3A_18 = arith.addi %scan3A_16, %scan3A_17 : i32
    %scan3A_19 = arith.constant 1 : i32
    scf.for %scan3A_114 = %scan3A_16 to %scan3A_18 step %scan3A_19  : i32 {
      %mul3A_115 = arith.constant 1 : i32
      %mul3A_116 = arith.muli %scan3A_114, %mul3A_115 : i32
      %add3A_117 = arith.constant 0 : i32
      %add3A_118 = arith.addi %add3A_117, %mul3A_116 : i32
      %mul3A_119 = arith.constant 128 : i32
      %mul3A_120 = arith.muli %add3A_118, %mul3A_119 : i32
      %add3A_121 = arith.addi %mul3A_2, %mul3A_120 : i32
      %add3A_122 = arith.constant 0 : i32
      %add3A_123 = arith.addi %add3A_122, %add3A_121 : i32
      "tpu.region"() ({
        %run_scoped3A = tpu.sem_alloc : memref<!tpu.dma_semaphore, #tpu.memory_space<semaphore_mem>>
        %dma_start3A = tpu.memref_slice %arg3[%add3A_123] : memref<1310720xi32, #tpu.memory_space<hbm>> -> memref<128xi32, #tpu.memory_space<hbm>>
        %dma_start3A_124 = tpu.memref_slice %arg3[%add3A_123] : memref<1310720xi32, #tpu.memory_space<hbm>> -> memref<128xi32, #tpu.memory_space<hbm>>
        tpu.enqueue_dma source(%dma_start3A_124 : memref<128xi32, #tpu.memory_space<hbm>>) target(%arg8 : memref<128xi32, #tpu.memory_space<vmem>>) target_semaphore(%run_scoped3A : memref<!tpu.dma_semaphore, #tpu.memory_space<semaphore_mem>>)
        %dma_wait3A = tpu.memref_slice %arg3[%add3A_123] : memref<1310720xi32, #tpu.memory_space<hbm>> -> memref<128xi32, #tpu.memory_space<hbm>>
        %dma_wait3A_125 = tpu.memref_slice %arg3[%add3A_123] : memref<1310720xi32, #tpu.memory_space<hbm>> -> memref<128xi32, #tpu.memory_space<hbm>>
        tpu.wait_dma2 semaphore(%run_scoped3A : memref<!tpu.dma_semaphore, #tpu.memory_space<semaphore_mem>>) src(%dma_wait3A_125 : memref<128xi32, #tpu.memory_space<hbm>>) dst(%arg8 : memref<128xi32, #tpu.memory_space<vmem>>)
        tpu.yield
      }) : () -> ()
      "tpu.region"() ({
        %run_scoped3A = tpu.sem_alloc : memref<!tpu.dma_semaphore, #tpu.memory_space<semaphore_mem>>
        %dma_start3A = arith.constant 0 : i32
        %dma_start3A_124 = arith.constant 0 : i32
        %dma_start3A_125 = tpu.memref_slice %arg11[%dma_start3A, %dma_start3A_124] : memref<10240x128xf32, #tpu.memory_space<vmem_shared>> -> memref<10240x128xf32, #tpu.memory_space<vmem_shared>>
        tpu.enqueue_indirect_dma source(%arg10 : memref<128x128xf32, #tpu.memory_space<vmem>>) target(%dma_start3A_125 : memref<10240x128xf32, #tpu.memory_space<vmem_shared>>) offsets(%arg8 : memref<128xi32, #tpu.memory_space<vmem>>) semaphore(%run_scoped3A : memref<!tpu.dma_semaphore, #tpu.memory_space<semaphore_mem>>) {add = true}
        %dma_wait3A = arith.constant 0 : i32
        %dma_wait3A_126 = arith.constant 0 : i32
        %dma_wait3A_127 = tpu.memref_slice %arg11[%dma_wait3A, %dma_wait3A_126] : memref<10240x128xf32, #tpu.memory_space<vmem_shared>> -> memref<10240x128xf32, #tpu.memory_space<vmem_shared>>
        tpu.wait_indirect_dma semaphore(%run_scoped3A : memref<!tpu.dma_semaphore, #tpu.memory_space<semaphore_mem>>) src(%arg10 : memref<128x128xf32, #tpu.memory_space<vmem>>) dst(%dma_wait3A_127 : memref<10240x128xf32, #tpu.memory_space<vmem_shared>>)
        tpu.yield
      }) : () -> ()
    }
    %scan3A_20 = arith.constant 80 : i32
    %barrier3A_21 = arith.constant 0 : index
    tpu.barrier barrier_id(%barrier3A_21)
    %eq3A_22 = arith.constant 0 : i32
    %eq3A_23 = arith.cmpi eq, %arg1, %eq3A_22 : i32
    %convert_element_type3A_24 = arith.extui %eq3A_23 : i1 to i32
    %cond3A_25 = arith.constant 0 : i32
    %cond3A_26 = arith.cmpi ne, %convert_element_type3A_24, %cond3A_25 : i32
    scf.if %cond3A_26 {
      %mul3A_114 = arith.constant 4 : i32
      %mul3A_115 = arith.muli %arg0, %mul3A_114 : i32
      %add3A_116 = arith.constant 0 : i32
      %add3A_117 = arith.addi %mul3A_115, %add3A_116 : i32
      "tpu.region"() ({
        %run_scoped3A = tpu.sem_alloc : memref<!tpu.dma_semaphore, #tpu.memory_space<semaphore_mem>>
        %dma_start3A = arith.constant 0 : i32
        %dma_start3A_118 = arith.constant 0 : i32
        %dma_start3A_119 = tpu.memref_slice %arg7[%add3A_117, %dma_start3A, %dma_start3A_118] : memref<8x10240x128xf32, #tpu.memory_space<hbm>> -> memref<1x10240x128xf32, #tpu.memory_space<hbm>>
        %dma_start3A_120 = tpu.memref_squeeze %dma_start3A_119 : memref<1x10240x128xf32, #tpu.memory_space<hbm>> -> memref<10240x128xf32, #tpu.memory_space<hbm>>
        tpu.enqueue_dma source(%arg11 : memref<10240x128xf32, #tpu.memory_space<vmem_shared>>) target(%dma_start3A_120 : memref<10240x128xf32, #tpu.memory_space<hbm>>) target_semaphore(%run_scoped3A : memref<!tpu.dma_semaphore, #tpu.memory_space<semaphore_mem>>)
        %dma_wait3A = arith.constant 0 : i32
        %dma_wait3A_121 = arith.constant 0 : i32
        %dma_wait3A_122 = tpu.memref_slice %arg7[%add3A_117, %dma_wait3A, %dma_wait3A_121] : memref<8x10240x128xf32, #tpu.memory_space<hbm>> -> memref<1x10240x128xf32, #tpu.memory_space<hbm>>
        %dma_wait3A_123 = tpu.memref_squeeze %dma_wait3A_122 : memref<1x10240x128xf32, #tpu.memory_space<hbm>> -> memref<10240x128xf32, #tpu.memory_space<hbm>>
        tpu.wait_dma2 semaphore(%run_scoped3A : memref<!tpu.dma_semaphore, #tpu.memory_space<semaphore_mem>>) src(%arg11 : memref<10240x128xf32, #tpu.memory_space<vmem_shared>>) dst(%dma_wait3A_123 : memref<10240x128xf32, #tpu.memory_space<hbm>>)
        tpu.yield
      }) : () -> ()
    } else {
    }
    %eq3A_27 = arith.constant 0 : i32
    %eq3A_28 = arith.cmpi eq, %arg1, %eq3A_27 : i32
    %convert_element_type3A_29 = arith.extui %eq3A_28 : i1 to i32
    %cond3A_30 = arith.constant 0 : i32
    %cond3A_31 = arith.cmpi ne, %convert_element_type3A_29, %cond3A_30 : i32
    scf.if %cond3A_31 {
      "tpu.region"() ({
        %run_scoped3A = tpu.sem_alloc : memref<!tpu.dma_semaphore, #tpu.memory_space<semaphore_mem>>
        tpu.enqueue_dma source(%arg4 : memref<10240x128xf32, #tpu.memory_space<hbm>>) target(%arg11 : memref<10240x128xf32, #tpu.memory_space<vmem_shared>>) target_semaphore(%run_scoped3A : memref<!tpu.dma_semaphore, #tpu.memory_space<semaphore_mem>>)
        tpu.wait_dma2 semaphore(%run_scoped3A : memref<!tpu.dma_semaphore, #tpu.memory_space<semaphore_mem>>) src(%arg4 : memref<10240x128xf32, #tpu.memory_space<hbm>>) dst(%arg11 : memref<10240x128xf32, #tpu.memory_space<vmem_shared>>)
        tpu.yield
      }) : () -> ()
    } else {
    }
    %barrier3A_32 = arith.constant 0 : index
    tpu.barrier barrier_id(%barrier3A_32)
    %scan3A_33 = arith.constant 0 : i32
    %scan3A_34 = arith.constant 80 : i32
    %scan3A_35 = arith.addi %scan3A_33, %scan3A_34 : i32
    %scan3A_36 = arith.constant 1 : i32
    scf.for %scan3A_114 = %scan3A_33 to %scan3A_35 step %scan3A_36  : i32 {
      %mul3A_115 = arith.constant 1 : i32
      %mul3A_116 = arith.muli %scan3A_114, %mul3A_115 : i32
      %add3A_117 = arith.constant 0 : i32
      %add3A_118 = arith.addi %add3A_117, %mul3A_116 : i32
      %mul3A_119 = arith.constant 128 : i32
      %mul3A_120 = arith.muli %add3A_118, %mul3A_119 : i32
      %add3A_121 = arith.addi %mul3A_2, %mul3A_120 : i32
      %add3A_122 = arith.constant 327680 : i32
      %add3A_123 = arith.addi %add3A_122, %add3A_121 : i32
      "tpu.region"() ({
        %run_scoped3A = tpu.sem_alloc : memref<!tpu.dma_semaphore, #tpu.memory_space<semaphore_mem>>
        %dma_start3A = tpu.memref_slice %arg3[%add3A_123] : memref<1310720xi32, #tpu.memory_space<hbm>> -> memref<128xi32, #tpu.memory_space<hbm>>
        %dma_start3A_124 = tpu.memref_slice %arg3[%add3A_123] : memref<1310720xi32, #tpu.memory_space<hbm>> -> memref<128xi32, #tpu.memory_space<hbm>>
        tpu.enqueue_dma source(%dma_start3A_124 : memref<128xi32, #tpu.memory_space<hbm>>) target(%arg8 : memref<128xi32, #tpu.memory_space<vmem>>) target_semaphore(%run_scoped3A : memref<!tpu.dma_semaphore, #tpu.memory_space<semaphore_mem>>)
        %dma_wait3A = tpu.memref_slice %arg3[%add3A_123] : memref<1310720xi32, #tpu.memory_space<hbm>> -> memref<128xi32, #tpu.memory_space<hbm>>
        %dma_wait3A_125 = tpu.memref_slice %arg3[%add3A_123] : memref<1310720xi32, #tpu.memory_space<hbm>> -> memref<128xi32, #tpu.memory_space<hbm>>
        tpu.wait_dma2 semaphore(%run_scoped3A : memref<!tpu.dma_semaphore, #tpu.memory_space<semaphore_mem>>) src(%dma_wait3A_125 : memref<128xi32, #tpu.memory_space<hbm>>) dst(%arg8 : memref<128xi32, #tpu.memory_space<vmem>>)
        tpu.yield
      }) : () -> ()
      "tpu.region"() ({
        %run_scoped3A = tpu.sem_alloc : memref<!tpu.dma_semaphore, #tpu.memory_space<semaphore_mem>>
        %dma_start3A = arith.constant 0 : i32
        %dma_start3A_124 = tpu.memref_slice %arg2[%add3A_121, %dma_start3A] : memref<327680x128xf32, #tpu.memory_space<hbm>> -> memref<128x128xf32, #tpu.memory_space<hbm>>
        %dma_start3A_125 = arith.constant 0 : i32
        %dma_start3A_126 = tpu.memref_slice %arg2[%add3A_121, %dma_start3A_125] : memref<327680x128xf32, #tpu.memory_space<hbm>> -> memref<128x128xf32, #tpu.memory_space<hbm>>
        tpu.enqueue_dma source(%dma_start3A_126 : memref<128x128xf32, #tpu.memory_space<hbm>>) target(%arg9 : memref<128x128xf32, #tpu.memory_space<vmem>>) target_semaphore(%run_scoped3A : memref<!tpu.dma_semaphore, #tpu.memory_space<semaphore_mem>>)
        %dma_wait3A = arith.constant 0 : i32
        %dma_wait3A_127 = tpu.memref_slice %arg2[%add3A_121, %dma_wait3A] : memref<327680x128xf32, #tpu.memory_space<hbm>> -> memref<128x128xf32, #tpu.memory_space<hbm>>
        %dma_wait3A_128 = arith.constant 0 : i32
        %dma_wait3A_129 = tpu.memref_slice %arg2[%add3A_121, %dma_wait3A_128] : memref<327680x128xf32, #tpu.memory_space<hbm>> -> memref<128x128xf32, #tpu.memory_space<hbm>>
        tpu.wait_dma2 semaphore(%run_scoped3A : memref<!tpu.dma_semaphore, #tpu.memory_space<semaphore_mem>>) src(%dma_wait3A_129 : memref<128x128xf32, #tpu.memory_space<hbm>>) dst(%arg9 : memref<128x128xf32, #tpu.memory_space<vmem>>)
        tpu.yield
      }) : () -> ()
      "tpu.region"() ({
        %run_scoped3A = tpu.sem_alloc : memref<!tpu.dma_semaphore, #tpu.memory_space<semaphore_mem>>
        %dma_start3A = arith.constant 0 : i32
        %dma_start3A_124 = arith.constant 0 : i32
        %dma_start3A_125 = tpu.memref_slice %arg11[%dma_start3A, %dma_start3A_124] : memref<10240x128xf32, #tpu.memory_space<vmem_shared>> -> memref<10240x128xf32, #tpu.memory_space<vmem_shared>>
        tpu.enqueue_indirect_dma source(%arg9 : memref<128x128xf32, #tpu.memory_space<vmem>>) target(%dma_start3A_125 : memref<10240x128xf32, #tpu.memory_space<vmem_shared>>) offsets(%arg8 : memref<128xi32, #tpu.memory_space<vmem>>) semaphore(%run_scoped3A : memref<!tpu.dma_semaphore, #tpu.memory_space<semaphore_mem>>) {add = true}
        %dma_wait3A = arith.constant 0 : i32
        %dma_wait3A_126 = arith.constant 0 : i32
        %dma_wait3A_127 = tpu.memref_slice %arg11[%dma_wait3A, %dma_wait3A_126] : memref<10240x128xf32, #tpu.memory_space<vmem_shared>> -> memref<10240x128xf32, #tpu.memory_space<vmem_shared>>
        tpu.wait_indirect_dma semaphore(%run_scoped3A : memref<!tpu.dma_semaphore, #tpu.memory_space<semaphore_mem>>) src(%arg9 : memref<128x128xf32, #tpu.memory_space<vmem>>) dst(%dma_wait3A_127 : memref<10240x128xf32, #tpu.memory_space<vmem_shared>>)
        tpu.yield
      }) : () -> ()
    }
    %scan3A_37 = arith.constant 80 : i32
    %barrier3A_38 = arith.constant 0 : index
    tpu.barrier barrier_id(%barrier3A_38)
    %eq3A_39 = arith.constant 0 : i32
    %eq3A_40 = arith.cmpi eq, %arg1, %eq3A_39 : i32
    %convert_element_type3A_41 = arith.extui %eq3A_40 : i1 to i32
    %cond3A_42 = arith.constant 0 : i32
    %cond3A_43 = arith.cmpi ne, %convert_element_type3A_41, %cond3A_42 : i32
    scf.if %cond3A_43 {
      %mul3A_114 = arith.constant 4 : i32
      %mul3A_115 = arith.muli %arg0, %mul3A_114 : i32
      %add3A_116 = arith.constant 1 : i32
      %add3A_117 = arith.addi %mul3A_115, %add3A_116 : i32
      "tpu.region"() ({
        %run_scoped3A = tpu.sem_alloc : memref<!tpu.dma_semaphore, #tpu.memory_space<semaphore_mem>>
        %dma_start3A = arith.constant 0 : i32
        %dma_start3A_118 = arith.constant 0 : i32
        %dma_start3A_119 = tpu.memref_slice %arg6[%add3A_117, %dma_start3A, %dma_start3A_118] : memref<8x10240x128xf32, #tpu.memory_space<hbm>> -> memref<1x10240x128xf32, #tpu.memory_space<hbm>>
        %dma_start3A_120 = tpu.memref_squeeze %dma_start3A_119 : memref<1x10240x128xf32, #tpu.memory_space<hbm>> -> memref<10240x128xf32, #tpu.memory_space<hbm>>
        tpu.enqueue_dma source(%arg11 : memref<10240x128xf32, #tpu.memory_space<vmem_shared>>) target(%dma_start3A_120 : memref<10240x128xf32, #tpu.memory_space<hbm>>) target_semaphore(%run_scoped3A : memref<!tpu.dma_semaphore, #tpu.memory_space<semaphore_mem>>)
        %dma_wait3A = arith.constant 0 : i32
        %dma_wait3A_121 = arith.constant 0 : i32
        %dma_wait3A_122 = tpu.memref_slice %arg6[%add3A_117, %dma_wait3A, %dma_wait3A_121] : memref<8x10240x128xf32, #tpu.memory_space<hbm>> -> memref<1x10240x128xf32, #tpu.memory_space<hbm>>
        %dma_wait3A_123 = tpu.memref_squeeze %dma_wait3A_122 : memref<1x10240x128xf32, #tpu.memory_space<hbm>> -> memref<10240x128xf32, #tpu.memory_space<hbm>>
        tpu.wait_dma2 semaphore(%run_scoped3A : memref<!tpu.dma_semaphore, #tpu.memory_space<semaphore_mem>>) src(%arg11 : memref<10240x128xf32, #tpu.memory_space<vmem_shared>>) dst(%dma_wait3A_123 : memref<10240x128xf32, #tpu.memory_space<hbm>>)
        tpu.yield
      }) : () -> ()
      "tpu.region"() ({
        %run_scoped3A = tpu.sem_alloc : memref<!tpu.dma_semaphore, #tpu.memory_space<semaphore_mem>>
        tpu.enqueue_dma source(%arg4 : memref<10240x128xf32, #tpu.memory_space<hbm>>) target(%arg11 : memref<10240x128xf32, #tpu.memory_space<vmem_shared>>) target_semaphore(%run_scoped3A : memref<!tpu.dma_semaphore, #tpu.memory_space<semaphore_mem>>)
        tpu.wait_dma2 semaphore(%run_scoped3A : memref<!tpu.dma_semaphore, #tpu.memory_space<semaphore_mem>>) src(%arg4 : memref<10240x128xf32, #tpu.memory_space<hbm>>) dst(%arg11 : memref<10240x128xf32, #tpu.memory_space<vmem_shared>>)
        tpu.yield
      }) : () -> ()
    } else {
    }
    %barrier3A_44 = arith.constant 0 : index
    tpu.barrier barrier_id(%barrier3A_44)
    %scan3A_45 = arith.constant 0 : i32
    %scan3A_46 = arith.constant 80 : i32
    %scan3A_47 = arith.addi %scan3A_45, %scan3A_46 : i32
    %scan3A_48 = arith.constant 1 : i32
    scf.for %scan3A_114 = %scan3A_45 to %scan3A_47 step %scan3A_48  : i32 {
      %mul3A_115 = arith.constant 1 : i32
      %mul3A_116 = arith.muli %scan3A_114, %mul3A_115 : i32
      %add3A_117 = arith.constant 0 : i32
      %add3A_118 = arith.addi %add3A_117, %mul3A_116 : i32
      %mul3A_119 = arith.constant 128 : i32
      %mul3A_120 = arith.muli %add3A_118, %mul3A_119 : i32
      %add3A_121 = arith.addi %mul3A_2, %mul3A_120 : i32
      %add3A_122 = arith.constant 327680 : i32
      %add3A_123 = arith.addi %add3A_122, %add3A_121 : i32
      "tpu.region"() ({
        %run_scoped3A = tpu.sem_alloc : memref<!tpu.dma_semaphore, #tpu.memory_space<semaphore_mem>>
        %dma_start3A = tpu.memref_slice %arg3[%add3A_123] : memref<1310720xi32, #tpu.memory_space<hbm>> -> memref<128xi32, #tpu.memory_space<hbm>>
        %dma_start3A_124 = tpu.memref_slice %arg3[%add3A_123] : memref<1310720xi32, #tpu.memory_space<hbm>> -> memref<128xi32, #tpu.memory_space<hbm>>
        tpu.enqueue_dma source(%dma_start3A_124 : memref<128xi32, #tpu.memory_space<hbm>>) target(%arg8 : memref<128xi32, #tpu.memory_space<vmem>>) target_semaphore(%run_scoped3A : memref<!tpu.dma_semaphore, #tpu.memory_space<semaphore_mem>>)
        %dma_wait3A = tpu.memref_slice %arg3[%add3A_123] : memref<1310720xi32, #tpu.memory_space<hbm>> -> memref<128xi32, #tpu.memory_space<hbm>>
        %dma_wait3A_125 = tpu.memref_slice %arg3[%add3A_123] : memref<1310720xi32, #tpu.memory_space<hbm>> -> memref<128xi32, #tpu.memory_space<hbm>>
        tpu.wait_dma2 semaphore(%run_scoped3A : memref<!tpu.dma_semaphore, #tpu.memory_space<semaphore_mem>>) src(%dma_wait3A_125 : memref<128xi32, #tpu.memory_space<hbm>>) dst(%arg8 : memref<128xi32, #tpu.memory_space<vmem>>)
        tpu.yield
      }) : () -> ()
      "tpu.region"() ({
        %run_scoped3A = tpu.sem_alloc : memref<!tpu.dma_semaphore, #tpu.memory_space<semaphore_mem>>
        %dma_start3A = arith.constant 0 : i32
        %dma_start3A_124 = arith.constant 0 : i32
        %dma_start3A_125 = tpu.memref_slice %arg11[%dma_start3A, %dma_start3A_124] : memref<10240x128xf32, #tpu.memory_space<vmem_shared>> -> memref<10240x128xf32, #tpu.memory_space<vmem_shared>>
        tpu.enqueue_indirect_dma source(%arg10 : memref<128x128xf32, #tpu.memory_space<vmem>>) target(%dma_start3A_125 : memref<10240x128xf32, #tpu.memory_space<vmem_shared>>) offsets(%arg8 : memref<128xi32, #tpu.memory_space<vmem>>) semaphore(%run_scoped3A : memref<!tpu.dma_semaphore, #tpu.memory_space<semaphore_mem>>) {add = true}
        %dma_wait3A = arith.constant 0 : i32
        %dma_wait3A_126 = arith.constant 0 : i32
        %dma_wait3A_127 = tpu.memref_slice %arg11[%dma_wait3A, %dma_wait3A_126] : memref<10240x128xf32, #tpu.memory_space<vmem_shared>> -> memref<10240x128xf32, #tpu.memory_space<vmem_shared>>
        tpu.wait_indirect_dma semaphore(%run_scoped3A : memref<!tpu.dma_semaphore, #tpu.memory_space<semaphore_mem>>) src(%arg10 : memref<128x128xf32, #tpu.memory_space<vmem>>) dst(%dma_wait3A_127 : memref<10240x128xf32, #tpu.memory_space<vmem_shared>>)
        tpu.yield
      }) : () -> ()
    }
    %scan3A_49 = arith.constant 80 : i32
    %barrier3A_50 = arith.constant 0 : index
    tpu.barrier barrier_id(%barrier3A_50)
    %eq3A_51 = arith.constant 0 : i32
    %eq3A_52 = arith.cmpi eq, %arg1, %eq3A_51 : i32
    %convert_element_type3A_53 = arith.extui %eq3A_52 : i1 to i32
    %cond3A_54 = arith.constant 0 : i32
    %cond3A_55 = arith.cmpi ne, %convert_element_type3A_53, %cond3A_54 : i32
    scf.if %cond3A_55 {
      %mul3A_114 = arith.constant 4 : i32
      %mul3A_115 = arith.muli %arg0, %mul3A_114 : i32
      %add3A_116 = arith.constant 1 : i32
      %add3A_117 = arith.addi %mul3A_115, %add3A_116 : i32
      "tpu.region"() ({
        %run_scoped3A = tpu.sem_alloc : memref<!tpu.dma_semaphore, #tpu.memory_space<semaphore_mem>>
        %dma_start3A = arith.constant 0 : i32
        %dma_start3A_118 = arith.constant 0 : i32
        %dma_start3A_119 = tpu.memref_slice %arg7[%add3A_117, %dma_start3A, %dma_start3A_118] : memref<8x10240x128xf32, #tpu.memory_space<hbm>> -> memref<1x10240x128xf32, #tpu.memory_space<hbm>>
        %dma_start3A_120 = tpu.memref_squeeze %dma_start3A_119 : memref<1x10240x128xf32, #tpu.memory_space<hbm>> -> memref<10240x128xf32, #tpu.memory_space<hbm>>
        tpu.enqueue_dma source(%arg11 : memref<10240x128xf32, #tpu.memory_space<vmem_shared>>) target(%dma_start3A_120 : memref<10240x128xf32, #tpu.memory_space<hbm>>) target_semaphore(%run_scoped3A : memref<!tpu.dma_semaphore, #tpu.memory_space<semaphore_mem>>)
        %dma_wait3A = arith.constant 0 : i32
        %dma_wait3A_121 = arith.constant 0 : i32
        %dma_wait3A_122 = tpu.memref_slice %arg7[%add3A_117, %dma_wait3A, %dma_wait3A_121] : memref<8x10240x128xf32, #tpu.memory_space<hbm>> -> memref<1x10240x128xf32, #tpu.memory_space<hbm>>
        %dma_wait3A_123 = tpu.memref_squeeze %dma_wait3A_122 : memref<1x10240x128xf32, #tpu.memory_space<hbm>> -> memref<10240x128xf32, #tpu.memory_space<hbm>>
        tpu.wait_dma2 semaphore(%run_scoped3A : memref<!tpu.dma_semaphore, #tpu.memory_space<semaphore_mem>>) src(%arg11 : memref<10240x128xf32, #tpu.memory_space<vmem_shared>>) dst(%dma_wait3A_123 : memref<10240x128xf32, #tpu.memory_space<hbm>>)
        tpu.yield
      }) : () -> ()
    } else {
    }
    %eq3A_56 = arith.constant 0 : i32
    %eq3A_57 = arith.cmpi eq, %arg1, %eq3A_56 : i32
    %convert_element_type3A_58 = arith.extui %eq3A_57 : i1 to i32
    %cond3A_59 = arith.constant 0 : i32
    %cond3A_60 = arith.cmpi ne, %convert_element_type3A_58, %cond3A_59 : i32
    scf.if %cond3A_60 {
      "tpu.region"() ({
        %run_scoped3A = tpu.sem_alloc : memref<!tpu.dma_semaphore, #tpu.memory_space<semaphore_mem>>
        tpu.enqueue_dma source(%arg4 : memref<10240x128xf32, #tpu.memory_space<hbm>>) target(%arg11 : memref<10240x128xf32, #tpu.memory_space<vmem_shared>>) target_semaphore(%run_scoped3A : memref<!tpu.dma_semaphore, #tpu.memory_space<semaphore_mem>>)
        tpu.wait_dma2 semaphore(%run_scoped3A : memref<!tpu.dma_semaphore, #tpu.memory_space<semaphore_mem>>) src(%arg4 : memref<10240x128xf32, #tpu.memory_space<hbm>>) dst(%arg11 : memref<10240x128xf32, #tpu.memory_space<vmem_shared>>)
        tpu.yield
      }) : () -> ()
    } else {
    }
    %barrier3A_61 = arith.constant 0 : index
    tpu.barrier barrier_id(%barrier3A_61)
    %scan3A_62 = arith.constant 0 : i32
    %scan3A_63 = arith.constant 80 : i32
    %scan3A_64 = arith.addi %scan3A_62, %scan3A_63 : i32
    %scan3A_65 = arith.constant 1 : i32
    scf.for %scan3A_114 = %scan3A_62 to %scan3A_64 step %scan3A_65  : i32 {
      %mul3A_115 = arith.constant 1 : i32
      %mul3A_116 = arith.muli %scan3A_114, %mul3A_115 : i32
      %add3A_117 = arith.constant 0 : i32
      %add3A_118 = arith.addi %add3A_117, %mul3A_116 : i32
      %mul3A_119 = arith.constant 128 : i32
      %mul3A_120 = arith.muli %add3A_118, %mul3A_119 : i32
      %add3A_121 = arith.addi %mul3A_2, %mul3A_120 : i32
      %add3A_122 = arith.constant 655360 : i32
      %add3A_123 = arith.addi %add3A_122, %add3A_121 : i32
      "tpu.region"() ({
        %run_scoped3A = tpu.sem_alloc : memref<!tpu.dma_semaphore, #tpu.memory_space<semaphore_mem>>
        %dma_start3A = tpu.memref_slice %arg3[%add3A_123] : memref<1310720xi32, #tpu.memory_space<hbm>> -> memref<128xi32, #tpu.memory_space<hbm>>
        %dma_start3A_124 = tpu.memref_slice %arg3[%add3A_123] : memref<1310720xi32, #tpu.memory_space<hbm>> -> memref<128xi32, #tpu.memory_space<hbm>>
        tpu.enqueue_dma source(%dma_start3A_124 : memref<128xi32, #tpu.memory_space<hbm>>) target(%arg8 : memref<128xi32, #tpu.memory_space<vmem>>) target_semaphore(%run_scoped3A : memref<!tpu.dma_semaphore, #tpu.memory_space<semaphore_mem>>)
        %dma_wait3A = tpu.memref_slice %arg3[%add3A_123] : memref<1310720xi32, #tpu.memory_space<hbm>> -> memref<128xi32, #tpu.memory_space<hbm>>
        %dma_wait3A_125 = tpu.memref_slice %arg3[%add3A_123] : memref<1310720xi32, #tpu.memory_space<hbm>> -> memref<128xi32, #tpu.memory_space<hbm>>
        tpu.wait_dma2 semaphore(%run_scoped3A : memref<!tpu.dma_semaphore, #tpu.memory_space<semaphore_mem>>) src(%dma_wait3A_125 : memref<128xi32, #tpu.memory_space<hbm>>) dst(%arg8 : memref<128xi32, #tpu.memory_space<vmem>>)
        tpu.yield
      }) : () -> ()
      "tpu.region"() ({
        %run_scoped3A = tpu.sem_alloc : memref<!tpu.dma_semaphore, #tpu.memory_space<semaphore_mem>>
        %dma_start3A = arith.constant 0 : i32
        %dma_start3A_124 = tpu.memref_slice %arg2[%add3A_121, %dma_start3A] : memref<327680x128xf32, #tpu.memory_space<hbm>> -> memref<128x128xf32, #tpu.memory_space<hbm>>
        %dma_start3A_125 = arith.constant 0 : i32
        %dma_start3A_126 = tpu.memref_slice %arg2[%add3A_121, %dma_start3A_125] : memref<327680x128xf32, #tpu.memory_space<hbm>> -> memref<128x128xf32, #tpu.memory_space<hbm>>
        tpu.enqueue_dma source(%dma_start3A_126 : memref<128x128xf32, #tpu.memory_space<hbm>>) target(%arg9 : memref<128x128xf32, #tpu.memory_space<vmem>>) target_semaphore(%run_scoped3A : memref<!tpu.dma_semaphore, #tpu.memory_space<semaphore_mem>>)
        %dma_wait3A = arith.constant 0 : i32
        %dma_wait3A_127 = tpu.memref_slice %arg2[%add3A_121, %dma_wait3A] : memref<327680x128xf32, #tpu.memory_space<hbm>> -> memref<128x128xf32, #tpu.memory_space<hbm>>
        %dma_wait3A_128 = arith.constant 0 : i32
        %dma_wait3A_129 = tpu.memref_slice %arg2[%add3A_121, %dma_wait3A_128] : memref<327680x128xf32, #tpu.memory_space<hbm>> -> memref<128x128xf32, #tpu.memory_space<hbm>>
        tpu.wait_dma2 semaphore(%run_scoped3A : memref<!tpu.dma_semaphore, #tpu.memory_space<semaphore_mem>>) src(%dma_wait3A_129 : memref<128x128xf32, #tpu.memory_space<hbm>>) dst(%arg9 : memref<128x128xf32, #tpu.memory_space<vmem>>)
        tpu.yield
      }) : () -> ()
      "tpu.region"() ({
        %run_scoped3A = tpu.sem_alloc : memref<!tpu.dma_semaphore, #tpu.memory_space<semaphore_mem>>
        %dma_start3A = arith.constant 0 : i32
        %dma_start3A_124 = arith.constant 0 : i32
        %dma_start3A_125 = tpu.memref_slice %arg11[%dma_start3A, %dma_start3A_124] : memref<10240x128xf32, #tpu.memory_space<vmem_shared>> -> memref<10240x128xf32, #tpu.memory_space<vmem_shared>>
        tpu.enqueue_indirect_dma source(%arg9 : memref<128x128xf32, #tpu.memory_space<vmem>>) target(%dma_start3A_125 : memref<10240x128xf32, #tpu.memory_space<vmem_shared>>) offsets(%arg8 : memref<128xi32, #tpu.memory_space<vmem>>) semaphore(%run_scoped3A : memref<!tpu.dma_semaphore, #tpu.memory_space<semaphore_mem>>) {add = true}
        %dma_wait3A = arith.constant 0 : i32
        %dma_wait3A_126 = arith.constant 0 : i32
        %dma_wait3A_127 = tpu.memref_slice %arg11[%dma_wait3A, %dma_wait3A_126] : memref<10240x128xf32, #tpu.memory_space<vmem_shared>> -> memref<10240x128xf32, #tpu.memory_space<vmem_shared>>
        tpu.wait_indirect_dma semaphore(%run_scoped3A : memref<!tpu.dma_semaphore, #tpu.memory_space<semaphore_mem>>) src(%arg9 : memref<128x128xf32, #tpu.memory_space<vmem>>) dst(%dma_wait3A_127 : memref<10240x128xf32, #tpu.memory_space<vmem_shared>>)
        tpu.yield
      }) : () -> ()
    }
    %scan3A_66 = arith.constant 80 : i32
    %barrier3A_67 = arith.constant 0 : index
    tpu.barrier barrier_id(%barrier3A_67)
    %eq3A_68 = arith.constant 0 : i32
    %eq3A_69 = arith.cmpi eq, %arg1, %eq3A_68 : i32
    %convert_element_type3A_70 = arith.extui %eq3A_69 : i1 to i32
    %cond3A_71 = arith.constant 0 : i32
    %cond3A_72 = arith.cmpi ne, %convert_element_type3A_70, %cond3A_71 : i32
    scf.if %cond3A_72 {
      %mul3A_114 = arith.constant 4 : i32
      %mul3A_115 = arith.muli %arg0, %mul3A_114 : i32
      %add3A_116 = arith.constant 2 : i32
      %add3A_117 = arith.addi %mul3A_115, %add3A_116 : i32
      "tpu.region"() ({
        %run_scoped3A = tpu.sem_alloc : memref<!tpu.dma_semaphore, #tpu.memory_space<semaphore_mem>>
        %dma_start3A = arith.constant 0 : i32
        %dma_start3A_118 = arith.constant 0 : i32
        %dma_start3A_119 = tpu.memref_slice %arg6[%add3A_117, %dma_start3A, %dma_start3A_118] : memref<8x10240x128xf32, #tpu.memory_space<hbm>> -> memref<1x10240x128xf32, #tpu.memory_space<hbm>>
        %dma_start3A_120 = tpu.memref_squeeze %dma_start3A_119 : memref<1x10240x128xf32, #tpu.memory_space<hbm>> -> memref<10240x128xf32, #tpu.memory_space<hbm>>
        tpu.enqueue_dma source(%arg11 : memref<10240x128xf32, #tpu.memory_space<vmem_shared>>) target(%dma_start3A_120 : memref<10240x128xf32, #tpu.memory_space<hbm>>) target_semaphore(%run_scoped3A : memref<!tpu.dma_semaphore, #tpu.memory_space<semaphore_mem>>)
        %dma_wait3A = arith.constant 0 : i32
        %dma_wait3A_121 = arith.constant 0 : i32
        %dma_wait3A_122 = tpu.memref_slice %arg6[%add3A_117, %dma_wait3A, %dma_wait3A_121] : memref<8x10240x128xf32, #tpu.memory_space<hbm>> -> memref<1x10240x128xf32, #tpu.memory_space<hbm>>
        %dma_wait3A_123 = tpu.memref_squeeze %dma_wait3A_122 : memref<1x10240x128xf32, #tpu.memory_space<hbm>> -> memref<10240x128xf32, #tpu.memory_space<hbm>>
        tpu.wait_dma2 semaphore(%run_scoped3A : memref<!tpu.dma_semaphore, #tpu.memory_space<semaphore_mem>>) src(%arg11 : memref<10240x128xf32, #tpu.memory_space<vmem_shared>>) dst(%dma_wait3A_123 : memref<10240x128xf32, #tpu.memory_space<hbm>>)
        tpu.yield
      }) : () -> ()
      "tpu.region"() ({
        %run_scoped3A = tpu.sem_alloc : memref<!tpu.dma_semaphore, #tpu.memory_space<semaphore_mem>>
        tpu.enqueue_dma source(%arg4 : memref<10240x128xf32, #tpu.memory_space<hbm>>) target(%arg11 : memref<10240x128xf32, #tpu.memory_space<vmem_shared>>) target_semaphore(%run_scoped3A : memref<!tpu.dma_semaphore, #tpu.memory_space<semaphore_mem>>)
        tpu.wait_dma2 semaphore(%run_scoped3A : memref<!tpu.dma_semaphore, #tpu.memory_space<semaphore_mem>>) src(%arg4 : memref<10240x128xf32, #tpu.memory_space<hbm>>) dst(%arg11 : memref<10240x128xf32, #tpu.memory_space<vmem_shared>>)
        tpu.yield
      }) : () -> ()
    } else {
    }
    %barrier3A_73 = arith.constant 0 : index
    tpu.barrier barrier_id(%barrier3A_73)
    %scan3A_74 = arith.constant 0 : i32
    %scan3A_75 = arith.constant 80 : i32
    %scan3A_76 = arith.addi %scan3A_74, %scan3A_75 : i32
    %scan3A_77 = arith.constant 1 : i32
    scf.for %scan3A_114 = %scan3A_74 to %scan3A_76 step %scan3A_77  : i32 {
      %mul3A_115 = arith.constant 1 : i32
      %mul3A_116 = arith.muli %scan3A_114, %mul3A_115 : i32
      %add3A_117 = arith.constant 0 : i32
      %add3A_118 = arith.addi %add3A_117, %mul3A_116 : i32
      %mul3A_119 = arith.constant 128 : i32
      %mul3A_120 = arith.muli %add3A_118, %mul3A_119 : i32
      %add3A_121 = arith.addi %mul3A_2, %mul3A_120 : i32
      %add3A_122 = arith.constant 655360 : i32
      %add3A_123 = arith.addi %add3A_122, %add3A_121 : i32
      "tpu.region"() ({
        %run_scoped3A = tpu.sem_alloc : memref<!tpu.dma_semaphore, #tpu.memory_space<semaphore_mem>>
        %dma_start3A = tpu.memref_slice %arg3[%add3A_123] : memref<1310720xi32, #tpu.memory_space<hbm>> -> memref<128xi32, #tpu.memory_space<hbm>>
        %dma_start3A_124 = tpu.memref_slice %arg3[%add3A_123] : memref<1310720xi32, #tpu.memory_space<hbm>> -> memref<128xi32, #tpu.memory_space<hbm>>
        tpu.enqueue_dma source(%dma_start3A_124 : memref<128xi32, #tpu.memory_space<hbm>>) target(%arg8 : memref<128xi32, #tpu.memory_space<vmem>>) target_semaphore(%run_scoped3A : memref<!tpu.dma_semaphore, #tpu.memory_space<semaphore_mem>>)
        %dma_wait3A = tpu.memref_slice %arg3[%add3A_123] : memref<1310720xi32, #tpu.memory_space<hbm>> -> memref<128xi32, #tpu.memory_space<hbm>>
        %dma_wait3A_125 = tpu.memref_slice %arg3[%add3A_123] : memref<1310720xi32, #tpu.memory_space<hbm>> -> memref<128xi32, #tpu.memory_space<hbm>>
        tpu.wait_dma2 semaphore(%run_scoped3A : memref<!tpu.dma_semaphore, #tpu.memory_space<semaphore_mem>>) src(%dma_wait3A_125 : memref<128xi32, #tpu.memory_space<hbm>>) dst(%arg8 : memref<128xi32, #tpu.memory_space<vmem>>)
        tpu.yield
      }) : () -> ()
      "tpu.region"() ({
        %run_scoped3A = tpu.sem_alloc : memref<!tpu.dma_semaphore, #tpu.memory_space<semaphore_mem>>
        %dma_start3A = arith.constant 0 : i32
        %dma_start3A_124 = arith.constant 0 : i32
        %dma_start3A_125 = tpu.memref_slice %arg11[%dma_start3A, %dma_start3A_124] : memref<10240x128xf32, #tpu.memory_space<vmem_shared>> -> memref<10240x128xf32, #tpu.memory_space<vmem_shared>>
        tpu.enqueue_indirect_dma source(%arg10 : memref<128x128xf32, #tpu.memory_space<vmem>>) target(%dma_start3A_125 : memref<10240x128xf32, #tpu.memory_space<vmem_shared>>) offsets(%arg8 : memref<128xi32, #tpu.memory_space<vmem>>) semaphore(%run_scoped3A : memref<!tpu.dma_semaphore, #tpu.memory_space<semaphore_mem>>) {add = true}
        %dma_wait3A = arith.constant 0 : i32
        %dma_wait3A_126 = arith.constant 0 : i32
        %dma_wait3A_127 = tpu.memref_slice %arg11[%dma_wait3A, %dma_wait3A_126] : memref<10240x128xf32, #tpu.memory_space<vmem_shared>> -> memref<10240x128xf32, #tpu.memory_space<vmem_shared>>
        tpu.wait_indirect_dma semaphore(%run_scoped3A : memref<!tpu.dma_semaphore, #tpu.memory_space<semaphore_mem>>) src(%arg10 : memref<128x128xf32, #tpu.memory_space<vmem>>) dst(%dma_wait3A_127 : memref<10240x128xf32, #tpu.memory_space<vmem_shared>>)
        tpu.yield
      }) : () -> ()
    }
    %scan3A_78 = arith.constant 80 : i32
    %barrier3A_79 = arith.constant 0 : index
    tpu.barrier barrier_id(%barrier3A_79)
    %eq3A_80 = arith.constant 0 : i32
    %eq3A_81 = arith.cmpi eq, %arg1, %eq3A_80 : i32
    %convert_element_type3A_82 = arith.extui %eq3A_81 : i1 to i32
    %cond3A_83 = arith.constant 0 : i32
    %cond3A_84 = arith.cmpi ne, %convert_element_type3A_82, %cond3A_83 : i32
    scf.if %cond3A_84 {
      %mul3A_114 = arith.constant 4 : i32
      %mul3A_115 = arith.muli %arg0, %mul3A_114 : i32
      %add3A_116 = arith.constant 2 : i32
      %add3A_117 = arith.addi %mul3A_115, %add3A_116 : i32
      "tpu.region"() ({
        %run_scoped3A = tpu.sem_alloc : memref<!tpu.dma_semaphore, #tpu.memory_space<semaphore_mem>>
        %dma_start3A = arith.constant 0 : i32
        %dma_start3A_118 = arith.constant 0 : i32
        %dma_start3A_119 = tpu.memref_slice %arg7[%add3A_117, %dma_start3A, %dma_start3A_118] : memref<8x10240x128xf32, #tpu.memory_space<hbm>> -> memref<1x10240x128xf32, #tpu.memory_space<hbm>>
        %dma_start3A_120 = tpu.memref_squeeze %dma_start3A_119 : memref<1x10240x128xf32, #tpu.memory_space<hbm>> -> memref<10240x128xf32, #tpu.memory_space<hbm>>
        tpu.enqueue_dma source(%arg11 : memref<10240x128xf32, #tpu.memory_space<vmem_shared>>) target(%dma_start3A_120 : memref<10240x128xf32, #tpu.memory_space<hbm>>) target_semaphore(%run_scoped3A : memref<!tpu.dma_semaphore, #tpu.memory_space<semaphore_mem>>)
        %dma_wait3A = arith.constant 0 : i32
        %dma_wait3A_121 = arith.constant 0 : i32
        %dma_wait3A_122 = tpu.memref_slice %arg7[%add3A_117, %dma_wait3A, %dma_wait3A_121] : memref<8x10240x128xf32, #tpu.memory_space<hbm>> -> memref<1x10240x128xf32, #tpu.memory_space<hbm>>
        %dma_wait3A_123 = tpu.memref_squeeze %dma_wait3A_122 : memref<1x10240x128xf32, #tpu.memory_space<hbm>> -> memref<10240x128xf32, #tpu.memory_space<hbm>>
        tpu.wait_dma2 semaphore(%run_scoped3A : memref<!tpu.dma_semaphore, #tpu.memory_space<semaphore_mem>>) src(%arg11 : memref<10240x128xf32, #tpu.memory_space<vmem_shared>>) dst(%dma_wait3A_123 : memref<10240x128xf32, #tpu.memory_space<hbm>>)
        tpu.yield
      }) : () -> ()
    } else {
    }
    %eq3A_85 = arith.constant 0 : i32
    %eq3A_86 = arith.cmpi eq, %arg1, %eq3A_85 : i32
    %convert_element_type3A_87 = arith.extui %eq3A_86 : i1 to i32
    %cond3A_88 = arith.constant 0 : i32
    %cond3A_89 = arith.cmpi ne, %convert_element_type3A_87, %cond3A_88 : i32
    scf.if %cond3A_89 {
      "tpu.region"() ({
        %run_scoped3A = tpu.sem_alloc : memref<!tpu.dma_semaphore, #tpu.memory_space<semaphore_mem>>
        tpu.enqueue_dma source(%arg4 : memref<10240x128xf32, #tpu.memory_space<hbm>>) target(%arg11 : memref<10240x128xf32, #tpu.memory_space<vmem_shared>>) target_semaphore(%run_scoped3A : memref<!tpu.dma_semaphore, #tpu.memory_space<semaphore_mem>>)
        tpu.wait_dma2 semaphore(%run_scoped3A : memref<!tpu.dma_semaphore, #tpu.memory_space<semaphore_mem>>) src(%arg4 : memref<10240x128xf32, #tpu.memory_space<hbm>>) dst(%arg11 : memref<10240x128xf32, #tpu.memory_space<vmem_shared>>)
        tpu.yield
      }) : () -> ()
    } else {
    }
    %barrier3A_90 = arith.constant 0 : index
    tpu.barrier barrier_id(%barrier3A_90)
    %scan3A_91 = arith.constant 0 : i32
    %scan3A_92 = arith.constant 80 : i32
    %scan3A_93 = arith.addi %scan3A_91, %scan3A_92 : i32
    %scan3A_94 = arith.constant 1 : i32
    scf.for %scan3A_114 = %scan3A_91 to %scan3A_93 step %scan3A_94  : i32 {
      %mul3A_115 = arith.constant 1 : i32
      %mul3A_116 = arith.muli %scan3A_114, %mul3A_115 : i32
      %add3A_117 = arith.constant 0 : i32
      %add3A_118 = arith.addi %add3A_117, %mul3A_116 : i32
      %mul3A_119 = arith.constant 128 : i32
      %mul3A_120 = arith.muli %add3A_118, %mul3A_119 : i32
      %add3A_121 = arith.addi %mul3A_2, %mul3A_120 : i32
      %add3A_122 = arith.constant 983040 : i32
      %add3A_123 = arith.addi %add3A_122, %add3A_121 : i32
      "tpu.region"() ({
        %run_scoped3A = tpu.sem_alloc : memref<!tpu.dma_semaphore, #tpu.memory_space<semaphore_mem>>
        %dma_start3A = tpu.memref_slice %arg3[%add3A_123] : memref<1310720xi32, #tpu.memory_space<hbm>> -> memref<128xi32, #tpu.memory_space<hbm>>
        %dma_start3A_124 = tpu.memref_slice %arg3[%add3A_123] : memref<1310720xi32, #tpu.memory_space<hbm>> -> memref<128xi32, #tpu.memory_space<hbm>>
        tpu.enqueue_dma source(%dma_start3A_124 : memref<128xi32, #tpu.memory_space<hbm>>) target(%arg8 : memref<128xi32, #tpu.memory_space<vmem>>) target_semaphore(%run_scoped3A : memref<!tpu.dma_semaphore, #tpu.memory_space<semaphore_mem>>)
        %dma_wait3A = tpu.memref_slice %arg3[%add3A_123] : memref<1310720xi32, #tpu.memory_space<hbm>> -> memref<128xi32, #tpu.memory_space<hbm>>
        %dma_wait3A_125 = tpu.memref_slice %arg3[%add3A_123] : memref<1310720xi32, #tpu.memory_space<hbm>> -> memref<128xi32, #tpu.memory_space<hbm>>
        tpu.wait_dma2 semaphore(%run_scoped3A : memref<!tpu.dma_semaphore, #tpu.memory_space<semaphore_mem>>) src(%dma_wait3A_125 : memref<128xi32, #tpu.memory_space<hbm>>) dst(%arg8 : memref<128xi32, #tpu.memory_space<vmem>>)
        tpu.yield
      }) : () -> ()
      "tpu.region"() ({
        %run_scoped3A = tpu.sem_alloc : memref<!tpu.dma_semaphore, #tpu.memory_space<semaphore_mem>>
        %dma_start3A = arith.constant 0 : i32
        %dma_start3A_124 = tpu.memref_slice %arg2[%add3A_121, %dma_start3A] : memref<327680x128xf32, #tpu.memory_space<hbm>> -> memref<128x128xf32, #tpu.memory_space<hbm>>
        %dma_start3A_125 = arith.constant 0 : i32
        %dma_start3A_126 = tpu.memref_slice %arg2[%add3A_121, %dma_start3A_125] : memref<327680x128xf32, #tpu.memory_space<hbm>> -> memref<128x128xf32, #tpu.memory_space<hbm>>
        tpu.enqueue_dma source(%dma_start3A_126 : memref<128x128xf32, #tpu.memory_space<hbm>>) target(%arg9 : memref<128x128xf32, #tpu.memory_space<vmem>>) target_semaphore(%run_scoped3A : memref<!tpu.dma_semaphore, #tpu.memory_space<semaphore_mem>>)
        %dma_wait3A = arith.constant 0 : i32
        %dma_wait3A_127 = tpu.memref_slice %arg2[%add3A_121, %dma_wait3A] : memref<327680x128xf32, #tpu.memory_space<hbm>> -> memref<128x128xf32, #tpu.memory_space<hbm>>
        %dma_wait3A_128 = arith.constant 0 : i32
        %dma_wait3A_129 = tpu.memref_slice %arg2[%add3A_121, %dma_wait3A_128] : memref<327680x128xf32, #tpu.memory_space<hbm>> -> memref<128x128xf32, #tpu.memory_space<hbm>>
        tpu.wait_dma2 semaphore(%run_scoped3A : memref<!tpu.dma_semaphore, #tpu.memory_space<semaphore_mem>>) src(%dma_wait3A_129 : memref<128x128xf32, #tpu.memory_space<hbm>>) dst(%arg9 : memref<128x128xf32, #tpu.memory_space<vmem>>)
        tpu.yield
      }) : () -> ()
      "tpu.region"() ({
        %run_scoped3A = tpu.sem_alloc : memref<!tpu.dma_semaphore, #tpu.memory_space<semaphore_mem>>
        %dma_start3A = arith.constant 0 : i32
        %dma_start3A_124 = arith.constant 0 : i32
        %dma_start3A_125 = tpu.memref_slice %arg11[%dma_start3A, %dma_start3A_124] : memref<10240x128xf32, #tpu.memory_space<vmem_shared>> -> memref<10240x128xf32, #tpu.memory_space<vmem_shared>>
        tpu.enqueue_indirect_dma source(%arg9 : memref<128x128xf32, #tpu.memory_space<vmem>>) target(%dma_start3A_125 : memref<10240x128xf32, #tpu.memory_space<vmem_shared>>) offsets(%arg8 : memref<128xi32, #tpu.memory_space<vmem>>) semaphore(%run_scoped3A : memref<!tpu.dma_semaphore, #tpu.memory_space<semaphore_mem>>) {add = true}
        %dma_wait3A = arith.constant 0 : i32
        %dma_wait3A_126 = arith.constant 0 : i32
        %dma_wait3A_127 = tpu.memref_slice %arg11[%dma_wait3A, %dma_wait3A_126] : memref<10240x128xf32, #tpu.memory_space<vmem_shared>> -> memref<10240x128xf32, #tpu.memory_space<vmem_shared>>
        tpu.wait_indirect_dma semaphore(%run_scoped3A : memref<!tpu.dma_semaphore, #tpu.memory_space<semaphore_mem>>) src(%arg9 : memref<128x128xf32, #tpu.memory_space<vmem>>) dst(%dma_wait3A_127 : memref<10240x128xf32, #tpu.memory_space<vmem_shared>>)
        tpu.yield
      }) : () -> ()
    }
    %scan3A_95 = arith.constant 80 : i32
    %barrier3A_96 = arith.constant 0 : index
    tpu.barrier barrier_id(%barrier3A_96)
    %eq3A_97 = arith.constant 0 : i32
    %eq3A_98 = arith.cmpi eq, %arg1, %eq3A_97 : i32
    %convert_element_type3A_99 = arith.extui %eq3A_98 : i1 to i32
    %cond3A_100 = arith.constant 0 : i32
    %cond3A_101 = arith.cmpi ne, %convert_element_type3A_99, %cond3A_100 : i32
    scf.if %cond3A_101 {
      %mul3A_114 = arith.constant 4 : i32
      %mul3A_115 = arith.muli %arg0, %mul3A_114 : i32
      %add3A_116 = arith.constant 3 : i32
      %add3A_117 = arith.addi %mul3A_115, %add3A_116 : i32
      "tpu.region"() ({
        %run_scoped3A = tpu.sem_alloc : memref<!tpu.dma_semaphore, #tpu.memory_space<semaphore_mem>>
        %dma_start3A = arith.constant 0 : i32
        %dma_start3A_118 = arith.constant 0 : i32
        %dma_start3A_119 = tpu.memref_slice %arg6[%add3A_117, %dma_start3A, %dma_start3A_118] : memref<8x10240x128xf32, #tpu.memory_space<hbm>> -> memref<1x10240x128xf32, #tpu.memory_space<hbm>>
        %dma_start3A_120 = tpu.memref_squeeze %dma_start3A_119 : memref<1x10240x128xf32, #tpu.memory_space<hbm>> -> memref<10240x128xf32, #tpu.memory_space<hbm>>
        tpu.enqueue_dma source(%arg11 : memref<10240x128xf32, #tpu.memory_space<vmem_shared>>) target(%dma_start3A_120 : memref<10240x128xf32, #tpu.memory_space<hbm>>) target_semaphore(%run_scoped3A : memref<!tpu.dma_semaphore, #tpu.memory_space<semaphore_mem>>)
        %dma_wait3A = arith.constant 0 : i32
        %dma_wait3A_121 = arith.constant 0 : i32
        %dma_wait3A_122 = tpu.memref_slice %arg6[%add3A_117, %dma_wait3A, %dma_wait3A_121] : memref<8x10240x128xf32, #tpu.memory_space<hbm>> -> memref<1x10240x128xf32, #tpu.memory_space<hbm>>
        %dma_wait3A_123 = tpu.memref_squeeze %dma_wait3A_122 : memref<1x10240x128xf32, #tpu.memory_space<hbm>> -> memref<10240x128xf32, #tpu.memory_space<hbm>>
        tpu.wait_dma2 semaphore(%run_scoped3A : memref<!tpu.dma_semaphore, #tpu.memory_space<semaphore_mem>>) src(%arg11 : memref<10240x128xf32, #tpu.memory_space<vmem_shared>>) dst(%dma_wait3A_123 : memref<10240x128xf32, #tpu.memory_space<hbm>>)
        tpu.yield
      }) : () -> ()
      "tpu.region"() ({
        %run_scoped3A = tpu.sem_alloc : memref<!tpu.dma_semaphore, #tpu.memory_space<semaphore_mem>>
        tpu.enqueue_dma source(%arg4 : memref<10240x128xf32, #tpu.memory_space<hbm>>) target(%arg11 : memref<10240x128xf32, #tpu.memory_space<vmem_shared>>) target_semaphore(%run_scoped3A : memref<!tpu.dma_semaphore, #tpu.memory_space<semaphore_mem>>)
        tpu.wait_dma2 semaphore(%run_scoped3A : memref<!tpu.dma_semaphore, #tpu.memory_space<semaphore_mem>>) src(%arg4 : memref<10240x128xf32, #tpu.memory_space<hbm>>) dst(%arg11 : memref<10240x128xf32, #tpu.memory_space<vmem_shared>>)
        tpu.yield
      }) : () -> ()
    } else {
    }
    %barrier3A_102 = arith.constant 0 : index
    tpu.barrier barrier_id(%barrier3A_102)
    %scan3A_103 = arith.constant 0 : i32
    %scan3A_104 = arith.constant 80 : i32
    %scan3A_105 = arith.addi %scan3A_103, %scan3A_104 : i32
    %scan3A_106 = arith.constant 1 : i32
    scf.for %scan3A_114 = %scan3A_103 to %scan3A_105 step %scan3A_106  : i32 {
      %mul3A_115 = arith.constant 1 : i32
      %mul3A_116 = arith.muli %scan3A_114, %mul3A_115 : i32
      %add3A_117 = arith.constant 0 : i32
      %add3A_118 = arith.addi %add3A_117, %mul3A_116 : i32
      %mul3A_119 = arith.constant 128 : i32
      %mul3A_120 = arith.muli %add3A_118, %mul3A_119 : i32
      %add3A_121 = arith.addi %mul3A_2, %mul3A_120 : i32
      %add3A_122 = arith.constant 983040 : i32
      %add3A_123 = arith.addi %add3A_122, %add3A_121 : i32
      "tpu.region"() ({
        %run_scoped3A = tpu.sem_alloc : memref<!tpu.dma_semaphore, #tpu.memory_space<semaphore_mem>>
        %dma_start3A = tpu.memref_slice %arg3[%add3A_123] : memref<1310720xi32, #tpu.memory_space<hbm>> -> memref<128xi32, #tpu.memory_space<hbm>>
        %dma_start3A_124 = tpu.memref_slice %arg3[%add3A_123] : memref<1310720xi32, #tpu.memory_space<hbm>> -> memref<128xi32, #tpu.memory_space<hbm>>
        tpu.enqueue_dma source(%dma_start3A_124 : memref<128xi32, #tpu.memory_space<hbm>>) target(%arg8 : memref<128xi32, #tpu.memory_space<vmem>>) target_semaphore(%run_scoped3A : memref<!tpu.dma_semaphore, #tpu.memory_space<semaphore_mem>>)
        %dma_wait3A = tpu.memref_slice %arg3[%add3A_123] : memref<1310720xi32, #tpu.memory_space<hbm>> -> memref<128xi32, #tpu.memory_space<hbm>>
        %dma_wait3A_125 = tpu.memref_slice %arg3[%add3A_123] : memref<1310720xi32, #tpu.memory_space<hbm>> -> memref<128xi32, #tpu.memory_space<hbm>>
        tpu.wait_dma2 semaphore(%run_scoped3A : memref<!tpu.dma_semaphore, #tpu.memory_space<semaphore_mem>>) src(%dma_wait3A_125 : memref<128xi32, #tpu.memory_space<hbm>>) dst(%arg8 : memref<128xi32, #tpu.memory_space<vmem>>)
        tpu.yield
      }) : () -> ()
      "tpu.region"() ({
        %run_scoped3A = tpu.sem_alloc : memref<!tpu.dma_semaphore, #tpu.memory_space<semaphore_mem>>
        %dma_start3A = arith.constant 0 : i32
        %dma_start3A_124 = arith.constant 0 : i32
        %dma_start3A_125 = tpu.memref_slice %arg11[%dma_start3A, %dma_start3A_124] : memref<10240x128xf32, #tpu.memory_space<vmem_shared>> -> memref<10240x128xf32, #tpu.memory_space<vmem_shared>>
        tpu.enqueue_indirect_dma source(%arg10 : memref<128x128xf32, #tpu.memory_space<vmem>>) target(%dma_start3A_125 : memref<10240x128xf32, #tpu.memory_space<vmem_shared>>) offsets(%arg8 : memref<128xi32, #tpu.memory_space<vmem>>) semaphore(%run_scoped3A : memref<!tpu.dma_semaphore, #tpu.memory_space<semaphore_mem>>) {add = true}
        %dma_wait3A = arith.constant 0 : i32
        %dma_wait3A_126 = arith.constant 0 : i32
        %dma_wait3A_127 = tpu.memref_slice %arg11[%dma_wait3A, %dma_wait3A_126] : memref<10240x128xf32, #tpu.memory_space<vmem_shared>> -> memref<10240x128xf32, #tpu.memory_space<vmem_shared>>
        tpu.wait_indirect_dma semaphore(%run_scoped3A : memref<!tpu.dma_semaphore, #tpu.memory_space<semaphore_mem>>) src(%arg10 : memref<128x128xf32, #tpu.memory_space<vmem>>) dst(%dma_wait3A_127 : memref<10240x128xf32, #tpu.memory_space<vmem_shared>>)
        tpu.yield
      }) : () -> ()
    }
    %scan3A_107 = arith.constant 80 : i32
    %barrier3A_108 = arith.constant 0 : index
    tpu.barrier barrier_id(%barrier3A_108)
    %eq3A_109 = arith.constant 0 : i32
    %eq3A_110 = arith.cmpi eq, %arg1, %eq3A_109 : i32
    %convert_element_type3A_111 = arith.extui %eq3A_110 : i1 to i32
    %cond3A_112 = arith.constant 0 : i32
    %cond3A_113 = arith.cmpi ne, %convert_element_type3A_111, %cond3A_112 : i32
    scf.if %cond3A_113 {
      %mul3A_114 = arith.constant 4 : i32
      %mul3A_115 = arith.muli %arg0, %mul3A_114 : i32
      %add3A_116 = arith.constant 3 : i32
      %add3A_117 = arith.addi %mul3A_115, %add3A_116 : i32
      "tpu.region"() ({
        %run_scoped3A = tpu.sem_alloc : memref<!tpu.dma_semaphore, #tpu.memory_space<semaphore_mem>>
        %dma_start3A = arith.constant 0 : i32
        %dma_start3A_118 = arith.constant 0 : i32
        %dma_start3A_119 = tpu.memref_slice %arg7[%add3A_117, %dma_start3A, %dma_start3A_118] : memref<8x10240x128xf32, #tpu.memory_space<hbm>> -> memref<1x10240x128xf32, #tpu.memory_space<hbm>>
        %dma_start3A_120 = tpu.memref_squeeze %dma_start3A_119 : memref<1x10240x128xf32, #tpu.memory_space<hbm>> -> memref<10240x128xf32, #tpu.memory_space<hbm>>
        tpu.enqueue_dma source(%arg11 : memref<10240x128xf32, #tpu.memory_space<vmem_shared>>) target(%dma_start3A_120 : memref<10240x128xf32, #tpu.memory_space<hbm>>) target_semaphore(%run_scoped3A : memref<!tpu.dma_semaphore, #tpu.memory_space<semaphore_mem>>)
        %dma_wait3A = arith.constant 0 : i32
        %dma_wait3A_121 = arith.constant 0 : i32
        %dma_wait3A_122 = tpu.memref_slice %arg7[%add3A_117, %dma_wait3A, %dma_wait3A_121] : memref<8x10240x128xf32, #tpu.memory_space<hbm>> -> memref<1x10240x128xf32, #tpu.memory_space<hbm>>
        %dma_wait3A_123 = tpu.memref_squeeze %dma_wait3A_122 : memref<1x10240x128xf32, #tpu.memory_space<hbm>> -> memref<10240x128xf32, #tpu.memory_space<hbm>>
        tpu.wait_dma2 semaphore(%run_scoped3A : memref<!tpu.dma_semaphore, #tpu.memory_space<semaphore_mem>>) src(%arg11 : memref<10240x128xf32, #tpu.memory_space<vmem_shared>>) dst(%dma_wait3A_123 : memref<10240x128xf32, #tpu.memory_space<hbm>>)
        tpu.yield
      }) : () -> ()
    } else {
    }
    return
  }
}

#map = affine_map<(d0, d1) -> (0, 0)>
#map1 = affine_map<(d0, d1) -> (0)>
module attributes {stable_mosaic.version = 14 : i64} {
  func.func @_sc_gather(%arg0: i32, %arg1: i32, %arg2: memref<10000x128xf32, #tpu.memory_space<hbm>>, %arg3: memref<327680xi32, #tpu.memory_space<hbm>>, %arg4: memref<327680x128xf32, #tpu.memory_space<hbm>>, %arg5: memref<128xi32, #tpu.memory_space<vmem>>, %arg6: memref<128x128xf32, #tpu.memory_space<vmem>>, %arg7: memref<!tpu.dma_semaphore, #tpu.memory_space<semaphore_mem>>) attributes {dimension_semantics = [#tpu.dimension_semantics<core_parallel>, #tpu.dimension_semantics<subcore_parallel>], iteration_bounds = array<i64: 2, 16>, scalar_prefetch = 0 : i64, scratch_operands = 3 : i64, tpu.core_type = #tpu.core_type<sc_vector_subcore>, window_params = [{transform_indices = #map}, {transform_indices = #map1}, {transform_indices = #map}]} {
    %mul3A = arith.constant 2 : i32
    %mul3A_0 = arith.muli %arg1, %mul3A : i32
    %add3A = arith.addi %mul3A_0, %arg0 : i32
    %mul3A_1 = arith.constant 10240 : i32
    %mul3A_2 = arith.muli %add3A, %mul3A_1 : i32
    %scan3A = arith.constant 0 : i32
    %scan3A_3 = arith.constant 80 : i32
    %scan3A_4 = arith.addi %scan3A, %scan3A_3 : i32
    %scan3A_5 = arith.constant 1 : i32
    scf.for %scan3A_7 = %scan3A to %scan3A_4 step %scan3A_5  : i32 {
      %mul3A_8 = arith.constant 1 : i32
      %mul3A_9 = arith.muli %scan3A_7, %mul3A_8 : i32
      %add3A_10 = arith.constant 0 : i32
      %add3A_11 = arith.addi %add3A_10, %mul3A_9 : i32
      %mul3A_12 = arith.constant 128 : i32
      %mul3A_13 = arith.muli %add3A_11, %mul3A_12 : i32
      %add3A_14 = arith.addi %mul3A_2, %mul3A_13 : i32
      "tpu.region"() ({
        %run_scoped3A = tpu.sem_alloc : memref<!tpu.dma_semaphore, #tpu.memory_space<semaphore_mem>>
        %dma_start3A_19 = tpu.memref_slice %arg3[%add3A_14] : memref<327680xi32, #tpu.memory_space<hbm>> -> memref<128xi32, #tpu.memory_space<hbm>>
        %dma_start3A_20 = tpu.memref_slice %arg3[%add3A_14] : memref<327680xi32, #tpu.memory_space<hbm>> -> memref<128xi32, #tpu.memory_space<hbm>>
        tpu.enqueue_dma source(%dma_start3A_20 : memref<128xi32, #tpu.memory_space<hbm>>) target(%arg5 : memref<128xi32, #tpu.memory_space<vmem>>) target_semaphore(%run_scoped3A : memref<!tpu.dma_semaphore, #tpu.memory_space<semaphore_mem>>)
        %dma_wait3A_21 = tpu.memref_slice %arg3[%add3A_14] : memref<327680xi32, #tpu.memory_space<hbm>> -> memref<128xi32, #tpu.memory_space<hbm>>
        %dma_wait3A_22 = tpu.memref_slice %arg3[%add3A_14] : memref<327680xi32, #tpu.memory_space<hbm>> -> memref<128xi32, #tpu.memory_space<hbm>>
        tpu.wait_dma2 semaphore(%run_scoped3A : memref<!tpu.dma_semaphore, #tpu.memory_space<semaphore_mem>>) src(%dma_wait3A_22 : memref<128xi32, #tpu.memory_space<hbm>>) dst(%arg5 : memref<128xi32, #tpu.memory_space<vmem>>)
        tpu.yield
      }) : () -> ()
      %dma_start3A = arith.constant 0 : i32
      %dma_start3A_15 = arith.constant 0 : i32
      %dma_start3A_16 = tpu.memref_slice %arg2[%dma_start3A, %dma_start3A_15] : memref<10000x128xf32, #tpu.memory_space<hbm>> -> memref<10000x128xf32, #tpu.memory_space<hbm>>
      tpu.enqueue_indirect_dma source(%dma_start3A_16 : memref<10000x128xf32, #tpu.memory_space<hbm>>) target(%arg6 : memref<128x128xf32, #tpu.memory_space<vmem>>) offsets(%arg5 : memref<128xi32, #tpu.memory_space<vmem>>) semaphore(%arg7 : memref<!tpu.dma_semaphore, #tpu.memory_space<semaphore_mem>>)
      %dma_wait3A = arith.constant 0 : i32
      %dma_wait3A_17 = arith.constant 0 : i32
      %dma_wait3A_18 = tpu.memref_slice %arg2[%dma_wait3A, %dma_wait3A_17] : memref<10000x128xf32, #tpu.memory_space<hbm>> -> memref<10000x128xf32, #tpu.memory_space<hbm>>
      tpu.wait_indirect_dma semaphore(%arg7 : memref<!tpu.dma_semaphore, #tpu.memory_space<semaphore_mem>>) src(%dma_wait3A_18 : memref<10000x128xf32, #tpu.memory_space<hbm>>) dst(%arg6 : memref<128x128xf32, #tpu.memory_space<vmem>>)
      "tpu.region"() ({
        %run_scoped3A = tpu.sem_alloc : memref<!tpu.dma_semaphore, #tpu.memory_space<semaphore_mem>>
        %dma_start3A_19 = arith.constant 0 : i32
        %dma_start3A_20 = tpu.memref_slice %arg4[%add3A_14, %dma_start3A_19] : memref<327680x128xf32, #tpu.memory_space<hbm>> -> memref<128x128xf32, #tpu.memory_space<hbm>>
        %dma_start3A_21 = arith.constant 0 : i32
        %dma_start3A_22 = tpu.memref_slice %arg4[%add3A_14, %dma_start3A_21] : memref<327680x128xf32, #tpu.memory_space<hbm>> -> memref<128x128xf32, #tpu.memory_space<hbm>>
        tpu.enqueue_dma source(%arg6 : memref<128x128xf32, #tpu.memory_space<vmem>>) target(%dma_start3A_22 : memref<128x128xf32, #tpu.memory_space<hbm>>) target_semaphore(%run_scoped3A : memref<!tpu.dma_semaphore, #tpu.memory_space<semaphore_mem>>)
        %dma_wait3A_23 = arith.constant 0 : i32
        %dma_wait3A_24 = tpu.memref_slice %arg4[%add3A_14, %dma_wait3A_23] : memref<327680x128xf32, #tpu.memory_space<hbm>> -> memref<128x128xf32, #tpu.memory_space<hbm>>
        %dma_wait3A_25 = arith.constant 0 : i32
        %dma_wait3A_26 = tpu.memref_slice %arg4[%add3A_14, %dma_wait3A_25] : memref<327680x128xf32, #tpu.memory_space<hbm>> -> memref<128x128xf32, #tpu.memory_space<hbm>>
        tpu.wait_dma2 semaphore(%run_scoped3A : memref<!tpu.dma_semaphore, #tpu.memory_space<semaphore_mem>>) src(%arg6 : memref<128x128xf32, #tpu.memory_space<vmem>>) dst(%dma_wait3A_26 : memref<128x128xf32, #tpu.memory_space<hbm>>)
        tpu.yield
      }) : () -> ()
    }
    %scan3A_6 = arith.constant 80 : i32
    return
  }
}

module attributes {stable_mosaic.version = 14 : i64} {
  func.func @_msg_body(%arg0: i32, %arg1: memref<1024x128xf32, #tpu.memory_space<vmem>>, %arg2: memref<1024x128xf32, #tpu.memory_space<vmem>>, %arg3: memref<1x1x1024xi32, #tpu.memory_space<vmem>>, %arg4: memref<1x1x1024xi32, #tpu.memory_space<vmem>>, %arg5: memref<1024x128xf32, #tpu.memory_space<vmem>>, %arg6: memref<1x1x1024xi32, #tpu.memory_space<vmem>>, %arg7: memref<1x1x1024xi32, #tpu.memory_space<vmem>>, %arg8: memref<1x1x1024xi32, #tpu.memory_space<vmem>>, %arg9: memref<1x1x1024xi32, #tpu.memory_space<vmem>>) attributes {dimension_semantics = [#tpu.dimension_semantics<arbitrary>], iteration_bounds = array<i64: 320>, scalar_prefetch = 0 : i64, scratch_operands = 0 : i64, tpu.core_type = #tpu.core_type<tc>, window_params = [{transform_indices = @transform_0, window_bounds = array<i64: 1024, 128>}, {transform_indices = @transform_1, window_bounds = array<i64: 1024, 128>}, {transform_indices = @transform_2, window_bounds = array<i64: 1, 1, 1024>}, {transform_indices = @transform_3, window_bounds = array<i64: 1, 1, 1024>}, {transform_indices = @transform_4, window_bounds = array<i64: 1024, 128>}, {transform_indices = @transform_5, window_bounds = array<i64: 1, 1, 1024>}, {transform_indices = @transform_6, window_bounds = array<i64: 1, 1, 1024>}, {transform_indices = @transform_7, window_bounds = array<i64: 1, 1, 1024>}, {transform_indices = @transform_8, window_bounds = array<i64: 1, 1, 1024>}]} {
    %get3A = arith.constant 0 : index
    %get3A_0 = arith.constant 0 : index
    %get3A_1 = vector.load %arg1[%get3A, %get3A_0] : memref<1024x128xf32, #tpu.memory_space<vmem>>, vector<1024x128xf32>
    %get3A_2 = arith.constant 0 : index
    %get3A_3 = arith.constant 0 : index
    %get3A_4 = vector.load %arg2[%get3A_2, %get3A_3] : memref<1024x128xf32, #tpu.memory_space<vmem>>, vector<1024x128xf32>
    %add3A = arith.addf %get3A_1, %get3A_4 : vector<1024x128xf32>
    %max3A = arith.constant 0.000000e+00 : f32
    %max3A_5 = vector.broadcast %max3A : f32 to vector<1024x128xf32>
    %max3A_6 = arith.maximumf %add3A, %max3A_5 : vector<1024x128xf32>
    %swap3A = arith.constant 0 : index
    %swap3A_7 = arith.constant 0 : index
    %swap3A_8 = vector.load %arg5[%swap3A, %swap3A_7] : memref<1024x128xf32, #tpu.memory_space<vmem>>, vector<1024x128xf32>
    tpu.vector_store %arg5[%swap3A, %swap3A_7], %max3A_6 {strides = array<i32>} : memref<1024x128xf32, #tpu.memory_space<vmem>>, vector<1024x128xf32>,
    %get3A_9 = arith.constant 0 : index
    %get3A_10 = arith.constant 0 : index
    %get3A_11 = arith.constant 0 : index
    %get3A_12 = vector.load %arg3[%get3A_9, %get3A_10, %get3A_11] : memref<1x1x1024xi32, #tpu.memory_space<vmem>>, vector<1x1x1024xi32>
    %get3A_13 = vector.shape_cast %get3A_12 : vector<1x1x1024xi32> to vector<1024xi32>
    %get3A_14 = arith.constant 0 : index
    %get3A_15 = arith.constant 0 : index
    %get3A_16 = arith.constant 0 : index
    %get3A_17 = vector.load %arg4[%get3A_14, %get3A_15, %get3A_16] : memref<1x1x1024xi32, #tpu.memory_space<vmem>>, vector<1x1x1024xi32>
    %get3A_18 = vector.shape_cast %get3A_17 : vector<1x1x1024xi32> to vector<1024xi32>
    %eq3A = arith.constant 0 : i32
    %eq3A_19 = vector.broadcast %eq3A : i32 to vector<1024xi32>
    %eq3A_20 = arith.cmpi eq, %get3A_18, %eq3A_19 : vector<1024xi32>
    %jit3A = arith.constant 10100 : i32
    %broadcast_in_dim3A = vector.broadcast %jit3A : i32 to vector<1024xi32>
    %select_n3A = arith.select %eq3A_20, %get3A_13, %broadcast_in_dim3A : vector<1024xi1>, vector<1024xi32>
    %swap3A_21 = arith.constant 0 : index
    %swap3A_22 = arith.constant 0 : index
    %swap3A_23 = arith.constant 0 : index
    %swap3A_24 = vector.load %arg6[%swap3A_21, %swap3A_22, %swap3A_23] : memref<1x1x1024xi32, #tpu.memory_space<vmem>>, vector<1x1x1024xi32>
    %swap3A_25 = vector.shape_cast %swap3A_24 : vector<1x1x1024xi32> to vector<1024xi32>
    %swap3A_26 = vector.shape_cast %select_n3A : vector<1024xi32> to vector<1x1x1024xi32>
    tpu.vector_store %arg6[%swap3A_21, %swap3A_22, %swap3A_23], %swap3A_26 {strides = array<i32>} : memref<1x1x1024xi32, #tpu.memory_space<vmem>>, vector<1x1x1024xi32>,
    %eq3A_27 = arith.constant 1 : i32
    %eq3A_28 = vector.broadcast %eq3A_27 : i32 to vector<1024xi32>
    %eq3A_29 = arith.cmpi eq, %get3A_18, %eq3A_28 : vector<1024xi32>
    %jit3A_30 = arith.constant 10100 : i32
    %broadcast_in_dim3A_31 = vector.broadcast %jit3A_30 : i32 to vector<1024xi32>
    %select_n3A_32 = arith.select %eq3A_29, %get3A_13, %broadcast_in_dim3A_31 : vector<1024xi1>, vector<1024xi32>
    %swap3A_33 = arith.constant 0 : index
    %swap3A_34 = arith.constant 0 : index
    %swap3A_35 = arith.constant 0 : index
    %swap3A_36 = vector.load %arg7[%swap3A_33, %swap3A_34, %swap3A_35] : memref<1x1x1024xi32, #tpu.memory_space<vmem>>, vector<1x1x1024xi32>
    %swap3A_37 = vector.shape_cast %swap3A_36 : vector<1x1x1024xi32> to vector<1024xi32>
    %swap3A_38 = vector.shape_cast %select_n3A_32 : vector<1024xi32> to vector<1x1x1024xi32>
    tpu.vector_store %arg7[%swap3A_33, %swap3A_34, %swap3A_35], %swap3A_38 {strides = array<i32>} : memref<1x1x1024xi32, #tpu.memory_space<vmem>>, vector<1x1x1024xi32>,
    %eq3A_39 = arith.constant 2 : i32
    %eq3A_40 = vector.broadcast %eq3A_39 : i32 to vector<1024xi32>
    %eq3A_41 = arith.cmpi eq, %get3A_18, %eq3A_40 : vector<1024xi32>
    %jit3A_42 = arith.constant 10100 : i32
    %broadcast_in_dim3A_43 = vector.broadcast %jit3A_42 : i32 to vector<1024xi32>
    %select_n3A_44 = arith.select %eq3A_41, %get3A_13, %broadcast_in_dim3A_43 : vector<1024xi1>, vector<1024xi32>
    %swap3A_45 = arith.constant 0 : index
    %swap3A_46 = arith.constant 0 : index
    %swap3A_47 = arith.constant 0 : index
    %swap3A_48 = vector.load %arg8[%swap3A_45, %swap3A_46, %swap3A_47] : memref<1x1x1024xi32, #tpu.memory_space<vmem>>, vector<1x1x1024xi32>
    %swap3A_49 = vector.shape_cast %swap3A_48 : vector<1x1x1024xi32> to vector<1024xi32>
    %swap3A_50 = vector.shape_cast %select_n3A_44 : vector<1024xi32> to vector<1x1x1024xi32>
    tpu.vector_store %arg8[%swap3A_45, %swap3A_46, %swap3A_47], %swap3A_50 {strides = array<i32>} : memref<1x1x1024xi32, #tpu.memory_space<vmem>>, vector<1x1x1024xi32>,
    %eq3A_51 = arith.constant 3 : i32
    %eq3A_52 = vector.broadcast %eq3A_51 : i32 to vector<1024xi32>
    %eq3A_53 = arith.cmpi eq, %get3A_18, %eq3A_52 : vector<1024xi32>
    %jit3A_54 = arith.constant 10100 : i32
    %broadcast_in_dim3A_55 = vector.broadcast %jit3A_54 : i32 to vector<1024xi32>
    %select_n3A_56 = arith.select %eq3A_53, %get3A_13, %broadcast_in_dim3A_55 : vector<1024xi1>, vector<1024xi32>
    %swap3A_57 = arith.constant 0 : index
    %swap3A_58 = arith.constant 0 : index
    %swap3A_59 = arith.constant 0 : index
    %swap3A_60 = vector.load %arg9[%swap3A_57, %swap3A_58, %swap3A_59] : memref<1x1x1024xi32, #tpu.memory_space<vmem>>, vector<1x1x1024xi32>
    %swap3A_61 = vector.shape_cast %swap3A_60 : vector<1x1x1024xi32> to vector<1024xi32>
    %swap3A_62 = vector.shape_cast %select_n3A_56 : vector<1024xi32> to vector<1x1x1024xi32>
    tpu.vector_store %arg9[%swap3A_57, %swap3A_58, %swap3A_59], %swap3A_62 {strides = array<i32>} : memref<1x1x1024xi32, #tpu.memory_space<vmem>>, vector<1x1x1024xi32>,
    return
  }
  func.func @transform_0(%arg0: i32) -> (i32, i32) {
    %c0_i32 = arith.constant 0 : i32
    %c0_i32_0 = arith.constant 0 : i32
    return %arg0, %c0_i32 : i32, i32
  }
  func.func @transform_1(%arg0: i32) -> (i32, i32) {
    %c0_i32 = arith.constant 0 : i32
    %c0_i32_0 = arith.constant 0 : i32
    return %arg0, %c0_i32 : i32, i32
  }
  func.func @transform_2(%arg0: i32) -> (i32, i32, i32) {
    %c0_i32 = arith.constant 0 : i32
    %c0_i32_0 = arith.constant 0 : i32
    %c0_i32_1 = arith.constant 0 : i32
    return %arg0, %c0_i32, %c0_i32_0 : i32, i32, i32
  }
  func.func @transform_3(%arg0: i32) -> (i32, i32, i32) {
    %c0_i32 = arith.constant 0 : i32
    %c0_i32_0 = arith.constant 0 : i32
    %c0_i32_1 = arith.constant 0 : i32
    return %arg0, %c0_i32, %c0_i32_0 : i32, i32, i32
  }
  func.func @transform_4(%arg0: i32) -> (i32, i32) {
    %c0_i32 = arith.constant 0 : i32
    %c0_i32_0 = arith.constant 0 : i32
    return %arg0, %c0_i32 : i32, i32
  }
  func.func @transform_5(%arg0: i32) -> (i32, i32, i32) {
    %c0_i32 = arith.constant 0 : i32
    %c0_i32_0 = arith.constant 0 : i32
    %c0_i32_1 = arith.constant 0 : i32
    return %arg0, %c0_i32, %c0_i32_0 : i32, i32, i32
  }
  func.func @transform_6(%arg0: i32) -> (i32, i32, i32) {
    %c0_i32 = arith.constant 0 : i32
    %c0_i32_0 = arith.constant 0 : i32
    %c0_i32_1 = arith.constant 0 : i32
    return %arg0, %c0_i32, %c0_i32_0 : i32, i32, i32
  }
  func.func @transform_7(%arg0: i32) -> (i32, i32, i32) {
    %c0_i32 = arith.constant 0 : i32
    %c0_i32_0 = arith.constant 0 : i32
    %c0_i32_1 = arith.constant 0 : i32
    return %arg0, %c0_i32, %c0_i32_0 : i32, i32, i32
  }
  func.func @transform_8(%arg0: i32) -> (i32, i32, i32) {
    %c0_i32 = arith.constant 0 : i32
    %c0_i32_0 = arith.constant 0 : i32
    %c0_i32_1 = arith.constant 0 : i32
    return %arg0, %c0_i32, %c0_i32_0 : i32, i32, i32
  }
}

module attributes {stable_mosaic.version = 14 : i64} {
  func.func @_fin_body(%arg0: i32, %arg1: memref<2x4x512x128xf32, #tpu.memory_space<vmem>>, %arg2: memref<4x512x128xf32, #tpu.memory_space<vmem>>, %arg3: memref<512x128xf32, #tpu.memory_space<vmem>>, %arg4: memref<4x128x128xf32, #tpu.memory_space<vmem>>, %arg5: memref<128x128xf32, #tpu.memory_space<vmem>>, %arg6: memref<1x128xf32, #tpu.memory_space<vmem>>, %arg7: memref<512x128xf32, #tpu.memory_space<vmem>>) attributes {dimension_semantics = [#tpu.dimension_semantics<arbitrary>], iteration_bounds = array<i64: 20>, scalar_prefetch = 0 : i64, scratch_operands = 0 : i64, tpu.core_type = #tpu.core_type<tc>, window_params = [{transform_indices = @transform_0, window_bounds = array<i64: 2, 4, 512, 128>}, {transform_indices = @transform_1, window_bounds = array<i64: 4, 512, 128>}, {transform_indices = @transform_2, window_bounds = array<i64: 512, 128>}, {pipeline_mode = #tpu.pipeline_mode<synchronous>, transform_indices = @transform_3, window_bounds = array<i64: 4, 128, 128>}, {pipeline_mode = #tpu.pipeline_mode<synchronous>, transform_indices = @transform_4, window_bounds = array<i64: 128, 128>}, {pipeline_mode = #tpu.pipeline_mode<synchronous>, transform_indices = @transform_5, window_bounds = array<i64: 1, 128>}, {transform_indices = @transform_6, window_bounds = array<i64: 512, 128>}]} {
    %get3A = arith.constant 0 : index
    %get3A_0 = arith.constant 0 : index
    %get3A_1 = arith.constant 0 : index
    %get3A_2 = arith.constant 0 : index
    %get3A_3 = vector.load %arg1[%get3A, %get3A_0, %get3A_1, %get3A_2] : memref<2x4x512x128xf32, #tpu.memory_space<vmem>>, vector<2x4x512x128xf32>
    %slice3A = vector.extract_strided_slice %get3A_3 {offsets = [0, 0, 0, 0], sizes = [1, 4, 512, 128], strides = [1, 1, 1, 1]} : vector<2x4x512x128xf32> to vector<1x4x512x128xf32>
    %squeeze3A = vector.shape_cast %slice3A : vector<1x4x512x128xf32> to vector<4x512x128xf32>
    %slice3A_4 = vector.extract_strided_slice %get3A_3 {offsets = [1, 0, 0, 0], sizes = [1, 4, 512, 128], strides = [1, 1, 1, 1]} : vector<2x4x512x128xf32> to vector<1x4x512x128xf32>
    %squeeze3A_5 = vector.shape_cast %slice3A_4 : vector<1x4x512x128xf32> to vector<4x512x128xf32>
    %add3A = arith.addf %squeeze3A, %squeeze3A_5 : vector<4x512x128xf32>
    %get3A_6 = arith.constant 0 : index
    %get3A_7 = arith.constant 0 : index
    %get3A_8 = arith.constant 0 : index
    %get3A_9 = vector.load %arg2[%get3A_6, %get3A_7, %get3A_8] : memref<4x512x128xf32, #tpu.memory_space<vmem>>, vector<4x512x128xf32>
    %mul3A = arith.mulf %add3A, %get3A_9 : vector<4x512x128xf32>
    %get3A_10 = arith.constant 0 : index
    %get3A_11 = arith.constant 0 : index
    %get3A_12 = vector.load %arg3[%get3A_10, %get3A_11] : memref<512x128xf32, #tpu.memory_space<vmem>>, vector<512x128xf32>
    %get3A_13 = arith.constant 0 : index
    %get3A_14 = arith.constant 0 : index
    %get3A_15 = vector.load %arg5[%get3A_13, %get3A_14] : memref<128x128xf32, #tpu.memory_space<vmem>>, vector<128x128xf32>
    %dot_general3A = arith.constant dense<0.000000e+00> : vector<512x128xf32>
    %dot_general3A_16 = tpu.matmul %get3A_12, %get3A_15, %dot_general3A {dimension_numbers = #tpu.dot_dimension_numbers<[1], [0], [0], [1], [0, 0, 1, 1], [], []>, transpose_lhs_hint = false} : vector<512x128xf32>, vector<128x128xf32>, vector<512x128xf32> -> vector<512x128xf32>
    %slice3A_17 = vector.extract_strided_slice %mul3A {offsets = [0, 0, 0], sizes = [1, 512, 128], strides = [1, 1, 1]} : vector<4x512x128xf32> to vector<1x512x128xf32>
    %squeeze3A_18 = vector.shape_cast %slice3A_17 : vector<1x512x128xf32> to vector<512x128xf32>
    %get3A_19 = arith.constant 0 : index
    %get3A_20 = arith.constant 0 : index
    %get3A_21 = arith.constant 0 : index
    %get3A_22 = vector.load %arg4[%get3A_19, %get3A_20, %get3A_21] : memref<4x128x128xf32, #tpu.memory_space<vmem>>, vector<1x128x128xf32>
    %get3A_23 = vector.shape_cast %get3A_22 : vector<1x128x128xf32> to vector<128x128xf32>
    %dot_general3A_24 = arith.constant dense<0.000000e+00> : vector<512x128xf32>
    %dot_general3A_25 = tpu.matmul %squeeze3A_18, %get3A_23, %dot_general3A_24 {dimension_numbers = #tpu.dot_dimension_numbers<[1], [0], [0], [1], [0, 0, 1, 1], [], []>, transpose_lhs_hint = false} : vector<512x128xf32>, vector<128x128xf32>, vector<512x128xf32> -> vector<512x128xf32>
    %add3A_26 = arith.addf %dot_general3A_16, %dot_general3A_25 : vector<512x128xf32>
    %slice3A_27 = vector.extract_strided_slice %mul3A {offsets = [1, 0, 0], sizes = [1, 512, 128], strides = [1, 1, 1]} : vector<4x512x128xf32> to vector<1x512x128xf32>
    %squeeze3A_28 = vector.shape_cast %slice3A_27 : vector<1x512x128xf32> to vector<512x128xf32>
    %get3A_29 = arith.constant 1 : index
    %get3A_30 = arith.constant 0 : index
    %get3A_31 = arith.constant 0 : index
    %get3A_32 = vector.load %arg4[%get3A_29, %get3A_30, %get3A_31] : memref<4x128x128xf32, #tpu.memory_space<vmem>>, vector<1x128x128xf32>
    %get3A_33 = vector.shape_cast %get3A_32 : vector<1x128x128xf32> to vector<128x128xf32>
    %dot_general3A_34 = arith.constant dense<0.000000e+00> : vector<512x128xf32>
    %dot_general3A_35 = tpu.matmul %squeeze3A_28, %get3A_33, %dot_general3A_34 {dimension_numbers = #tpu.dot_dimension_numbers<[1], [0], [0], [1], [0, 0, 1, 1], [], []>, transpose_lhs_hint = false} : vector<512x128xf32>, vector<128x128xf32>, vector<512x128xf32> -> vector<512x128xf32>
    %add3A_36 = arith.addf %add3A_26, %dot_general3A_35 : vector<512x128xf32>
    %slice3A_37 = vector.extract_strided_slice %mul3A {offsets = [2, 0, 0], sizes = [1, 512, 128], strides = [1, 1, 1]} : vector<4x512x128xf32> to vector<1x512x128xf32>
    %squeeze3A_38 = vector.shape_cast %slice3A_37 : vector<1x512x128xf32> to vector<512x128xf32>
    %get3A_39 = arith.constant 2 : index
    %get3A_40 = arith.constant 0 : index
    %get3A_41 = arith.constant 0 : index
    %get3A_42 = vector.load %arg4[%get3A_39, %get3A_40, %get3A_41] : memref<4x128x128xf32, #tpu.memory_space<vmem>>, vector<1x128x128xf32>
    %get3A_43 = vector.shape_cast %get3A_42 : vector<1x128x128xf32> to vector<128x128xf32>
    %dot_general3A_44 = arith.constant dense<0.000000e+00> : vector<512x128xf32>
    %dot_general3A_45 = tpu.matmul %squeeze3A_38, %get3A_43, %dot_general3A_44 {dimension_numbers = #tpu.dot_dimension_numbers<[1], [0], [0], [1], [0, 0, 1, 1], [], []>, transpose_lhs_hint = false} : vector<512x128xf32>, vector<128x128xf32>, vector<512x128xf32> -> vector<512x128xf32>
    %add3A_46 = arith.addf %add3A_36, %dot_general3A_45 : vector<512x128xf32>
    %slice3A_47 = vector.extract_strided_slice %mul3A {offsets = [3, 0, 0], sizes = [1, 512, 128], strides = [1, 1, 1]} : vector<4x512x128xf32> to vector<1x512x128xf32>
    %squeeze3A_48 = vector.shape_cast %slice3A_47 : vector<1x512x128xf32> to vector<512x128xf32>
    %get3A_49 = arith.constant 3 : index
    %get3A_50 = arith.constant 0 : index
    %get3A_51 = arith.constant 0 : index
    %get3A_52 = vector.load %arg4[%get3A_49, %get3A_50, %get3A_51] : memref<4x128x128xf32, #tpu.memory_space<vmem>>, vector<1x128x128xf32>
    %get3A_53 = vector.shape_cast %get3A_52 : vector<1x128x128xf32> to vector<128x128xf32>
    %dot_general3A_54 = arith.constant dense<0.000000e+00> : vector<512x128xf32>
    %dot_general3A_55 = tpu.matmul %squeeze3A_48, %get3A_53, %dot_general3A_54 {dimension_numbers = #tpu.dot_dimension_numbers<[1], [0], [0], [1], [0, 0, 1, 1], [], []>, transpose_lhs_hint = false} : vector<512x128xf32>, vector<128x128xf32>, vector<512x128xf32> -> vector<512x128xf32>
    %add3A_56 = arith.addf %add3A_46, %dot_general3A_55 : vector<512x128xf32>
    %get3A_57 = arith.constant 0 : index
    %get3A_58 = arith.constant 0 : index
    %get3A_59 = vector.load %arg6[%get3A_57, %get3A_58] : memref<1x128xf32, #tpu.memory_space<vmem>>, vector<1x128xf32>
    %add3A_60 = vector.broadcast %get3A_59 : vector<1x128xf32> to vector<512x128xf32>
    %add3A_61 = arith.addf %add3A_56, %add3A_60 : vector<512x128xf32>
    %swap3A = arith.constant 0 : index
    %swap3A_62 = arith.constant 0 : index
    %swap3A_63 = vector.load %arg7[%swap3A, %swap3A_62] : memref<512x128xf32, #tpu.memory_space<vmem>>, vector<512x128xf32>
    tpu.vector_store %arg7[%swap3A, %swap3A_62], %add3A_61 {strides = array<i32>} : memref<512x128xf32, #tpu.memory_space<vmem>>, vector<512x128xf32>,
    return
  }
  func.func @transform_0(%arg0: i32) -> (i32, i32, i32, i32) {
    %c0_i32 = arith.constant 0 : i32
    %c0_i32_0 = arith.constant 0 : i32
    %c0_i32_1 = arith.constant 0 : i32
    %c0_i32_2 = arith.constant 0 : i32
    return %c0_i32, %c0_i32_0, %arg0, %c0_i32_1 : i32, i32, i32, i32
  }
  func.func @transform_1(%arg0: i32) -> (i32, i32, i32) {
    %c0_i32 = arith.constant 0 : i32
    %c0_i32_0 = arith.constant 0 : i32
    %c0_i32_1 = arith.constant 0 : i32
    return %c0_i32, %arg0, %c0_i32_0 : i32, i32, i32
  }
  func.func @transform_2(%arg0: i32) -> (i32, i32) {
    %c0_i32 = arith.constant 0 : i32
    %c0_i32_0 = arith.constant 0 : i32
    return %arg0, %c0_i32 : i32, i32
  }
  func.func @transform_3(%arg0: i32) -> (i32, i32, i32) {
    %c0_i32 = arith.constant 0 : i32
    %c0_i32_0 = arith.constant 0 : i32
    %c0_i32_1 = arith.constant 0 : i32
    %c0_i32_2 = arith.constant 0 : i32
    return %c0_i32, %c0_i32_0, %c0_i32_1 : i32, i32, i32
  }
  func.func @transform_4(%arg0: i32) -> (i32, i32) {
    %c0_i32 = arith.constant 0 : i32
    %c0_i32_0 = arith.constant 0 : i32
    %c0_i32_1 = arith.constant 0 : i32
    return %c0_i32, %c0_i32_0 : i32, i32
  }
  func.func @transform_5(%arg0: i32) -> (i32, i32) {
    %c0_i32 = arith.constant 0 : i32
    %c0_i32_0 = arith.constant 0 : i32
    %c0_i32_1 = arith.constant 0 : i32
    return %c0_i32, %c0_i32_0 : i32, i32
  }
  func.func @transform_6(%arg0: i32) -> (i32, i32) {
    %c0_i32 = arith.constant 0 : i32
    %c0_i32_0 = arith.constant 0 : i32
    return %arg0, %c0_i32 : i32, i32
  }
}

</mosaic_0001>

<sc_bundles>
// kernel: kernel.6.cloned.1.call-start
scs
__scs_entry_jumppad:
0x0: {  	(pc) =	sbr.rel $0x88, $3  }
0x1: {  	(tag) =	ssettag $0x0;
	lr =	simm.s32 $0x1  }
0x2: {  	[smem:$0x3F9A] =	sst lr;
	_ =	strace $0xD0000000  }
0x3: {  	_ = 	snop  }
0x4: {  	_ = 	snop  }
0x5: {  	_ = 	snop  }
0x6: {  	_ = 	snop  }
0x7: {  	_ = 	snop  }
__scs_overlays_trampoline_lowered:
0x8: {  	[smem:$0x3FA9] =	sst s0  }
0x9: {  	[smem:$0x3FAA] =	sst s1  }
0xa: {  	[smem:$0x3FAB] =	sst s2  }
0xb: {  	[smem:$0x3FAC] =	sst s3  }
0xc: {  	[smem:$0x3FAD] =	sst s4  }
0xd: {  	[smem:$0x3FAE] =	sst s5  }
0xe: {  	[smem:$0x3FAF] =	sst s6  }
0xf: {  	[smem:$0x3FB0] =	sst s7  }
0x10: {  	[smem:$0x3FB1] =	sst s8  }
0x11: {  	[smem:$0x3FB2] =	sst s9;
	s0 =	simm.s32 @!p0 $0x0  }
0x12: {  	s1 =	sld [smem:$0x3F98];
	s0 =	simm.s32 @p0 $0x1  }
0x13: {  	[smem:$0x3FB3] =	sst s0;
	s0 =	simm.s32 @!p1 $0x0  }
0x14: {  	s2 =	sld [smem:$0x3F97];
	s0 =	simm.s32 @p1 $0x1  }
0x15: {  	[smem:$0x3FB4] =	sst s0;
	s0 =	simm.s32 @!p2 $0x0  }
0x16: {  	s3 =	sld [smem:$0x3FDB];
	s0 =	simm.s32 @p2 $0x1  }
0x17: {  	s4 =	simm.s32 $0x1BF5;
	[smem:$0x3FB6] =	sst s0  }
0x18: {  	s0 =	sld [smem:$0x3F99];
	_ =	swait.ge [sflag:s4], $0x0  }
0x19: {  	s7 =	sld [smem:$0x3F9A]  }
0x1a: {  	s8 =	sadd.s32 $0xFFFFE003, lr  }
0x1b: {  	s9 =	sadd.s32 $0xFFFFFEF7, lr;
	s5 =	simm.s32 $0xFFFFFFFF;
	p2 =	slt.u32 s8, $0xFFFFF086  }
0x1c: {  	p1 =	slt.u32 s9, $0xF7A;
	s5 =	simm.s32 @!p2 $0x0  }
0x1d: {  	s5 =	simm.s32 @p1 $0x1;
	p0 =	seq.s32 s7, s2  }
0x1e: {  	s7 =	smul.u32 @!p0 $0xF7A, s2;
	p2 =	seq.s32 @!p0 s5, $0x0  }
0x1f: {  	s9 =	smul.u32 $0xF7A, s1;
	s8 =	simm.s32 @!p0 $0x1BF5;
	p2 =	por !p2, p0  }
0x20: {  	[sflag:s8] =	ssyncset.s32 @!p0 $0xFFFFF086;
	s6 =	sadd.s32 @!p0 s3, s7;
	s7 =	simm.s32 @!p0 $0x108  }
0x21: {  	s3 =	sadd.s32 s3, s9;
	s6 =	sadd.s32 @!p0 $0x88, s6;
	s7 =	simm.s32 @p2 $0x1082  }
0x22: {  	[simem:s7], [sflag:s8] =	dma.local @!p0 [hbm:s6], $0xF7A  }
0x23: {  	s9 =	sor.u32 $0xD0000000, s2;
	s6 =	simm.s32 $0x108;
	_ =	swait.ge @!p0 [sflag:s8], $0x0  }
0x24: {  	s3 =	sadd.s32 $0x88, s3;
	s6 =	simm.s32 @!p1 $0x1082;
	[sflag:s4] =	ssyncset.s32 $0xFFFFF086  }
0x25: {  	[simem:s6], [sflag:s4] =	dma.local [hbm:s3], $0xF7A  }
0x26: {  	[smem:$0x3F9A] =	sst s1;
	(tag) =	ssettag s2;
	_ =	strace s9  }
0x27: {  	s1 =	sld [smem:$0x3FAA]  }
0x28: {  	s2 =	sld [smem:$0x3FAB]  }
0x29: {  	s4 =	sld [smem:$0x3FAD]  }
0x2a: {  	p0 =	seq.s32 s5, $0x0;
	s5 =	sld [smem:$0x3FAE]  }
0x2b: {  	s6 =	sld [smem:$0x3FAF]  }
0x2c: {  	s7 =	sld [smem:$0x3FB0]  }
0x2d: {  	s3 =	simm.s32 $0x108;
	s8 =	sld [smem:$0x3FB1]  }
0x2e: {  	s3 =	simm.s32 @!p0 $0x1082;
	s9 =	sld [smem:$0x3FB2]  }
0x2f: {  	lr =	sadd.s32 s0, s3;
	s0 =	sld [smem:$0x3FA9]  }
0x30: {  	s3 =	sld [smem:$0x3FAC]  }
0x31: {  	[smem:$0x3FB5] =	sst s10  }
0x32: {  	s10 =	sld [smem:$0x3FB3];
	_ =	sdelay $0x3  }
0x33: {  	p0 =	seq.s32 s10, $0x1;
	s10 =	sld [smem:$0x3FB5];
	_ =	sdelay $0x3  }
0x34: {  	[smem:$0x3FB5] =	sst s10  }
0x35: {  	s10 =	sld [smem:$0x3FB4];
	_ =	sdelay $0x3  }
0x36: {  	p1 =	seq.s32 s10, $0x1;
	s10 =	sld [smem:$0x3FB5];
	_ =	sdelay $0x3  }
0x37: {  	[smem:$0x3FB5] =	sst s10  }
0x38: {  	s10 =	sld [smem:$0x3FB6]  }
0x39: {  	_ = 	snop;
	(pc) =	sbr.ind lr, $3  }
0x3a: {  	_ = 	snop  }
0x3b: {  	_ = 	snop  }
0x3c: {  	p2 =	seq.s32 s10, $0x1;
	s10 =	sld [smem:$0x3FB5]  }
0x3d: {  	_ =	shalt  }
0x3e: {  	_ =	shalt  }
0x3f: {  	_ =	shalt  }
0x40: {  	_ =	shalt  }
0x41: {  	_ =	shalt  }
0x42: {  	_ =	shalt  }
0x43: {  	_ =	shalt  }
0x44: {  	_ =	shalt  }
0x45: {  	_ =	shalt  }
0x46: {  	_ =	shalt  }
0x47: {  	_ =	shalt  }
0x48: {  	_ =	shalt  }
0x49: {  	_ =	shalt  }
0x4a: {  	_ =	shalt  }
0x4b: {  	_ =	shalt  }
0x4c: {  	_ =	shalt  }
0x4d: {  	_ =	shalt  }
0x4e: {  	_ =	shalt  }
0x4f: {  	_ =	shalt  }
0x50: {  	_ =	shalt  }
0x51: {  	_ =	shalt  }
0x52: {  	_ =	shalt  }
0x53: {  	_ =	shalt  }
0x54: {  	_ =	shalt  }
0x55: {  	_ =	shalt  }
0x56: {  	_ =	shalt  }
0x57: {  	_ =	shalt  }
0x58: {  	_ =	shalt  }
0x59: {  	_ =	shalt  }
0x5a: {  	_ =	shalt  }
0x5b: {  	_ =	shalt  }
0x5c: {  	_ =	shalt  }
0x5d: {  	_ =	shalt  }
0x5e: {  	_ =	shalt  }
0x5f: {  	_ =	shalt  }
0x60: {  	_ =	shalt  }
0x61: {  	_ =	shalt  }
0x62: {  	_ =	shalt  }
0x63: {  	_ =	shalt  }
0x64: {  	_ =	shalt  }
0x65: {  	_ =	shalt  }
0x66: {  	_ =	shalt  }
0x67: {  	_ =	shalt  }
0x68: {  	_ =	shalt  }
0x69: {  	_ =	shalt  }
0x6a: {  	_ =	shalt  }
0x6b: {  	_ =	shalt  }
0x6c: {  	_ =	shalt  }
0x6d: {  	_ =	shalt  }
0x6e: {  	_ =	shalt  }
0x6f: {  	_ =	shalt  }
0x70: {  	_ =	shalt  }
0x71: {  	_ =	shalt  }
0x72: {  	_ =	shalt  }
0x73: {  	_ =	shalt  }
0x74: {  	_ =	shalt  }
0x75: {  	_ =	shalt  }
0x76: {  	_ =	shalt  }
0x77: {  	_ =	shalt  }
0x78: {  	_ =	shalt  }
0x79: {  	_ =	shalt  }
0x7a: {  	_ =	shalt  }
0x7b: {  	_ =	shalt  }
0x7c: {  	_ =	shalt  }
0x7d: {  	_ =	shalt  }
0x7e: {  	_ =	shalt  }
0x7f: {  	_ =	shalt  }
0x80: {  	_ =	shalt  }
0x81: {  	_ =	shalt  }
0x82: {  	_ =	shalt  }
0x83: {  	_ =	shalt  }
0x84: {  	_ =	shalt  }
0x85: {  	_ =	shalt  }
0x86: {  	_ =	shalt  }
0x87: {  	_ =	shalt  }
.Lfunc_end0:
.L_simem_size_0:
called_computation_lowered:
.L_overlay_start_0:
0x88: {  	s2 =	sld [smem:$0x3FD9]  }
0x89: {  	s3 =	sld [smem:$0x3FFE];
	_ =	sdelay $0x1  }
0x8a: {  	s1 =	srdreg.scid  }
0x8b: {  	s0 =	sand.u32 $0x1, s1  }
0x8c: {  	s17 =	sshll.u32 s0, $0xA;
	s2 =	sadd.s32 s3, s2  }
0x8d: {  	s2 =	sadd.s32 s2, s17  }
0x8e: {  	[smem:$0x3FC1] =	sst s2  }
0x8f: {  	_ = 	snop  }
0x90: {  	s2 =	sld [smem:$0x3FC9]  }
0x91: {  	s18 =	sld [smem:$0x3FD0];
	(tm) =	ssettm $0x1  }
0x92: {  	s4 =	sld [smem:$0x3FFB];
	_ =	sdelay $0x3  }
0x93: {  	_ =	strace s4  }
0x94: {  	s4 =	sld [smem:$0x3FFC];
	_ =	sdelay $0x3  }
0x95: {  	_ =	strace s4  }
0x96: {  	s4 =	sld [smem:$0x3FFD];
	_ =	sdelay $0x3  }
0x97: {  	_ =	strace s4  }
0x98: {  	_ =	strace $0x8FFFFFFF  }
0x99: {  	s19 =	sld [smem:$0x3FDB];
	_ =	sdelay $0x1  }
0x9a: {  	s5 =	simm.s32 $_scs_section_size  }
0x9b: {  	s6 =	simm.s32 $_size__tile_overlayer_lowered;
	s7 =	simm.s32 $_tile_overlayer_lowered  }
0x9c: {  	s22 =	simm.s32 $0x1BFF;
	s21 =	sshll.u32 s7, $0x1;
	s4 =	sadd.s32 s5, s19  }
0x9d: {  	s8 =	simm.s32 $0x0;
	s20 =	sshll.u32 s6, $0x1;
	s6 =	sadd.s32 s21, s4  }
0x9e: {  	[timem:s8], [sflag:s22] =	dma.local [hbm:s6], s20  }
0x9f: {  	_ =	swait.ge [sflag:s22], s20  }
0xa0: {  	s5 =	ssub.s32 $0x0, s20;
	[sflag:s22] =	ssyncset.done $0x0  }
0xa1: {  	[sflag:s22] =	ssyncadd.s32 s5;
	_ =	sdelay $0x1  }
0xa2: {  	s23 =	simm.s32 $0x1B8B  }
0xa3: {  	_ =	swait.ge [sflag:s23], $0x1  }
0xa4: {  	[sflag:s23] =	ssyncset.done $0x0  }
0xa5: {  	s25 =	simm.s32 $0x1B8E;
	s24 =	sld [smem:$0x3FFE];
	[sflag:s23] =	ssyncadd.s32 $0xFFFFFFFF  }
0xa6: {  	s26 =	simm.s32 $execute0_lowered;
	[smem:$0x3FD2] =	sst s25  }
0xa7: {  	s6 =	sshll.u32 s26, $0x1;
	_ =	strace $0x80000046;
	[dreg:$0x1] =	wrdreg $0xFFFFFFFF  }
0xa8: {  	s28 =	simm.s32 $_size_execute0_lowered;
	s4 =	sadd.s32 s4, s6;
	[dreg:$0x0] =	wrdreg $0x0  }
0xa9: {  	s6 =	sshll.u32 s28, $0x1;
	[dreg:$0x2] =	wrdreg s4  }
0xaa: {  	[dreg:$0x3] =	wrdreg s6  }
0xab: {  	[dreg:$0x4] =	wrdreg $0xC0  }
0xac: {  	_ =	task [dreg:s8], $0x5FFFF  }
0xad: {  	[dreg:$0x1] =	wrdreg $0xFFFFFFFF  }
0xae: {  	[dreg:$0x0] =	wrdreg $0x60  }
0xaf: {  	[dreg:$0x2] =	wrdreg s2  }
0xb0: {  	[dreg:$0x3] =	wrdreg s18  }
0xb1: {  	[dreg:$0x4] =	wrdreg s24  }
0xb2: {  	[dreg:$0x5] =	wrdreg $0x9  }
0xb3: {  	_ =	task.clear_ibuf [dreg:s8], $0x6FFFF;
	_ =	strace $0x90000046  }
0xb4: {  	s29 =	simm.s32 $0x9;
	_ =	strace $0x80000048  }
0xb5: {  	_ =	swait.ge [sflag:s29], $0x1  }
0xb6: {  	[sflag:s29] =	ssyncadd.s32 $0xFFFFFFFF  }
0xb7: {  	_ =	strace $0x90000048  }
0xb8: {  	_ =	sfence  }
0xb9: {  	s30 =	sld [smem:$0x0];
	_ =	sdelay $0x2  }
0xba: {  	s31 =	sshll.u32 s1, $0xD;
	s1 =	sshrl.u32 s1, $0x2  }
0xbb: {  	s3 =	sand.u32 $0x4000, s31;
	s1 =	sadd.s32 s1, s30  }
0xbc: {  	s0 =	sor.u32 s3, s0;
	s1 =	sshll.u32 s1, $0x11  }
0xbd: {  	s0 =	sor.u32 s1, s0  }
0xbe: {  	s0 =	sadd.s32 $0x8F2B, s0  }
0xbf: {  	[sflag:s0] =	ssyncadd.remote.s32 $0x1  }
0xc0: {  	_ =	sfence.sel $0xFFFF  }
0xc1: {  	[dreg:$0x0] =	wrdreg $0xFFFFFFFF;
	(pc) =	sbr.abs _section_cstart, $3  }
0xc2: {  	[dreg:$0x1] =	wrdreg $0xFFFFFFFF  }
0xc3: {  	_ =	task.clear_ibuf [dreg:s8], $0x2FFFF;
	_ =	strace $0x9FFFFFFF  }
0xc4: {  	(tm) =	ssettm $0x7FFFFFFF  }
0xc5: {  	_ =	shalt  }
tec
execute0_lowered:
.L_overlay_start_1:
0x0: {  	(tag) =	ssettag $0x1  }
0x1: {  	s2 =	rddreg [dreg:$0x0]  }
0x2: {  	s6 =	rddreg [dreg:$0x1]  }
0x3: {  	s4 =	rddreg [dreg:$0x2]  }
0x4: {  	s0 =	rddreg [dreg:$0x3];
	s1 =	stileid.u32  }
0x5: {  	s7 =	srdreg.scid;
	s5 =	smul.u32 $0x50000, s1  }
0x6: {  	s3 =	simm.s32 $0x0;
	s7 =	sand.u32 $0x1, s7;
	s8 =	smul.u32 $0x5000, s1  }
0x7: {  	[smem:$0x7FF] =	sst s3;
	s9 =	ssub.s32 $0x2, s7;
	s10 =	smul.u32 $0x2800, s7  }
0x8: {  	s7 =	smul.u32 $0x28000, s7;
	_ =	strace $0x80000047;
	s30 =	sshrl.u32 s9, $0x1  }
0x9: {  	s5 =	sadd.s32 s5, s4;
	s4 =	ssub.s32 s9, s30;
	s8 =	sadd.s32 s10, s8  }
0xa: {  	s5 =	sadd.s32 s7, s5;
	s7 =	simm.s32 $0x2;
	s9 =	simm.s32 $0x1  }
0xb: {  	s10 =	simm.s32 $0x0;
	s4 =	smax.u32 s4, $0x1;
	s31 =	sshrl.u32 s8, $0x3  }
0xc: {  	s5 =	sadd.s32 $0xB200, s5;
	s8 =	simm.s32 $0x80;
	s6 =	sadd.s32 s31, s6  }
.LBB2_1:
0xd: {  	s11 =	sadd.s32 $0x0, s6  }
0xe: {  	[tilespmem:s3], [sflag:$0x2] =	stream.linear.gather [hbm4b:s11+s3], $0x80, $0x38;
	[tilespmem:$0x4080] =	vst v63  }
0xf: {  	_ =	swait.ge [sflag:s7], $0x80  }
0x10: {  	[sflag:s7] =	ssyncset.done $0x0  }
0x11: {  	[sflag:s7] =	ssyncadd.s32 $0xFFFFFF80  }
0x12: {  	[tilespmem:s8], [sflag:$0x1] =	stream.indirect.gather [hbm4b:s2+s8], $0x80, s3, s8, $0xb8;
	[tilespmem:$0x4080] =	vst v63  }
0x13: {  	_ =	swait.ge [sflag:s9], $0x4000  }
0x14: {  	[sflag:s9] =	ssyncset.done $0x0  }
0x15: {  	[sflag:s9] =	ssyncadd.s32 $0xFFFFC000  }
0x16: {  	[hbm4b:s5+s3] =	stream.linear.scatter [tilespmem:s8], [sflag:$0x2], $0x4000, $0x38;
	[tilespmem:$0x4080] =	vst v63  }
0x17: {  	s12 =	simm.s32 $0x10;
	_ =	swait.ge [sflag:s7], $0x4000  }
0x18: {  	s13 =	simm.s32 $0x20;
	s11 =	sadd.s32 $0x800, s5;
	[sflag:s7] =	ssyncset.done $0x0  }
.LBB2_2:
0x19: {  	s14 =	sadd.s32 s12, s6  }
0x1a: {  	[sflag:s7] =	ssyncadd.s32 $0xFFFFC000;
	s12 =	smov.u32 s13;
	s15 =	sadd.s32 $0x10, s13  }
0x1b: {  	[tilespmem:s3], [sflag:$0x2] =	stream.linear.gather [hbm4b:s14+s3], $0x80, $0x38;
	[tilespmem:$0x4080] =	vst v63  }
0x1c: {  	p0 =	sne.s32 s13, $0x4F0;
	_ =	swait.ge [sflag:s7], $0x80  }
0x1d: {  	[sflag:s7] =	ssyncset.done $0x0  }
0x1e: {  	[sflag:s7] =	ssyncadd.s32 $0xFFFFFF80  }
0x1f: {  	[tilespmem:s8], [sflag:$0x1] =	stream.indirect.gather [hbm4b:s2+s8], $0x80, s3, s8, $0xb8;
	[tilespmem:$0x4080] =	vst v63  }
0x20: {  	_ =	swait.ge [sflag:s9], $0x4000  }
.Ltmp0:
0x21: {  	[sflag:s9] =	ssyncset.done $0x0;
	(pc) =	sbr.rel @p0 .LBB2_2-.Ltmp0, $4  }
0x22: {  	[sflag:s9] =	ssyncadd.s32 $0xFFFFC000  }
0x23: {  	[hbm4b:s11+s3] =	stream.linear.scatter [tilespmem:s8], [sflag:$0x2], $0x4000, $0x38;
	[tilespmem:$0x4080] =	vst v63  }
0x24: {  	_ =	swait.ge [sflag:s7], $0x4000  }
0x25: {  	s13 =	smov.u32 s15;
	s11 =	sadd.s32 $0x800, s11;
	[sflag:s7] =	ssyncset.done $0x0  }
0x26: {  	s12 =	sadd.s32 s12, s6;
	[sflag:s7] =	ssyncadd.s32 $0xFFFFC000  }
0x27: {  	[tilespmem:s3], [sflag:$0x2] =	stream.linear.gather [hbm4b:s12+s3], $0x80, $0x38;
	[tilespmem:$0x4080] =	vst v63  }
0x28: {  	_ =	swait.ge [sflag:s7], $0x80  }
0x29: {  	[sflag:s7] =	ssyncset.done $0x0  }
0x2a: {  	[sflag:s7] =	ssyncadd.s32 $0xFFFFFF80  }
0x2b: {  	[tilespmem:s8], [sflag:$0x1] =	stream.indirect.gather [hbm4b:s2+s8], $0x80, s3, s8, $0xb8;
	[tilespmem:$0x4080] =	vst v63  }
0x2c: {  	s10 =	sadd.s32 $0x1, s10;
	_ =	swait.ge [sflag:s9], $0x4000  }
0x2d: {  	p0 =	sne.s32 s10, s4;
	[sflag:s9] =	ssyncset.done $0x0  }
.Ltmp1:
0x2e: {  	[sflag:s9] =	ssyncadd.s32 $0xFFFFC000;
	(pc) =	sbr.rel @p0 .LBB2_1-.Ltmp1, $4  }
0x2f: {  	[hbm4b:s11+s3] =	stream.linear.scatter [tilespmem:s8], [sflag:$0x2], $0x4000, $0x38;
	[tilespmem:$0x4080] =	vst v63  }
0x30: {  	_ =	swait.ge [sflag:s7], $0x4000  }
0x31: {  	[sflag:s7] =	ssyncset.done $0x0  }
0x32: {  	[sflag:s7] =	ssyncadd.s32 $0xFFFFC000  }
0x33: {  	_ =	sfence.sel $0x180000  }
0x34: {  	[bflag:$0x0] =	sbarrier.arrive $0xFFFF  }
0x35: {  	p0 =	sne.s32 s1, $0x0;
	_ =	strace $0x90000047  }
0x36: {  	s0 =	sadd.s32 @!p0 $0x100000, s0;
	[bflag:$0x2] =	sbarrier.arrive $0xFFFF  }
0x37: {  	[sflag:s0] =	ssyncadd.tile.s32 @!p0 $0x1;
	_ =	shalt  }
.Lfunc_end2:
_tile_overlayer_lowered:
.L_overlay_start_2:
0x38: {  	(tag) =	ssettag $0x2  }
0x39: {  	s0 =	rddreg [dreg:$0x0];
	s2 =	stileid.u32  }
0x3a: {  	s1 =	rddreg [dreg:$0x1];
	p0 =	sne.s32 s2, $0x0  }
0x3b: {  	s3 =	rddreg [dreg:$0x2];
	[bflag:$0x3] =	sbarrier.arrive $0xFFFF;
	s2 =	simm.s32 @!p0 $0x1C02  }
0x3c: {  	[timem:s3], [sflag:s2] =	dma.local @!p0 [hbm:s0], s1  }
0x3d: {  	s0 =	simm.s32 @!p0 $0x2  }
0x3e: {  	_ =	swait.ge @!p0 [sflag:s0], s1  }
0x3f: {  	s1 =	ssub.s32 @!p0 $0x0, s1;
	[sflag:s0] =	ssyncset.done @!p0 $0x0  }
0x40: {  	[sflag:s0] =	ssyncadd.s32 @!p0 s1  }
0x41: {  	[bflag:$0x3] =	sbarrier.arrive $0xFFFF  }
0x42: {  	_ =	shalt  }

// kernel: kernel.9.cloned.1.call-start
scs
__scs_entry_jumppad:
0x0: {  	(pc) =	sbr.rel $0x88, $3  }
0x1: {  	(tag) =	ssettag $0x0;
	lr =	simm.s32 $0x1  }
0x2: {  	[smem:$0x3F9A] =	sst lr;
	_ =	strace $0xD0000000  }
0x3: {  	_ = 	snop  }
0x4: {  	_ = 	snop  }
0x5: {  	_ = 	snop  }
0x6: {  	_ = 	snop  }
0x7: {  	_ = 	snop  }
__scs_overlays_trampoline_lowered:
0x8: {  	[smem:$0x3FA9] =	sst s0  }
0x9: {  	[smem:$0x3FAA] =	sst s1  }
0xa: {  	[smem:$0x3FAB] =	sst s2  }
0xb: {  	[smem:$0x3FAC] =	sst s3  }
0xc: {  	[smem:$0x3FAD] =	sst s4  }
0xd: {  	[smem:$0x3FAE] =	sst s5  }
0xe: {  	[smem:$0x3FAF] =	sst s6  }
0xf: {  	[smem:$0x3FB0] =	sst s7  }
0x10: {  	[smem:$0x3FB1] =	sst s8  }
0x11: {  	[smem:$0x3FB2] =	sst s9;
	s0 =	simm.s32 @!p0 $0x0  }
0x12: {  	s1 =	sld [smem:$0x3F98];
	s0 =	simm.s32 @p0 $0x1  }
0x13: {  	[smem:$0x3FB3] =	sst s0;
	s0 =	simm.s32 @!p1 $0x0  }
0x14: {  	s2 =	sld [smem:$0x3F97];
	s0 =	simm.s32 @p1 $0x1  }
0x15: {  	[smem:$0x3FB4] =	sst s0;
	s0 =	simm.s32 @!p2 $0x0  }
0x16: {  	s3 =	sld [smem:$0x3FDB];
	s0 =	simm.s32 @p2 $0x1  }
0x17: {  	s4 =	simm.s32 $0x1BF5;
	[smem:$0x3FB6] =	sst s0  }
0x18: {  	s0 =	sld [smem:$0x3F99];
	_ =	swait.ge [sflag:s4], $0x0  }
0x19: {  	s7 =	sld [smem:$0x3F9A]  }
0x1a: {  	s8 =	sadd.s32 $0xFFFFE003, lr  }
0x1b: {  	s9 =	sadd.s32 $0xFFFFFEF7, lr;
	s5 =	simm.s32 $0xFFFFFFFF;
	p2 =	slt.u32 s8, $0xFFFFF086  }
0x1c: {  	p1 =	slt.u32 s9, $0xF7A;
	s5 =	simm.s32 @!p2 $0x0  }
0x1d: {  	s5 =	simm.s32 @p1 $0x1;
	p0 =	seq.s32 s7, s2  }
0x1e: {  	s7 =	smul.u32 @!p0 $0xF7A, s2;
	p2 =	seq.s32 @!p0 s5, $0x0  }
0x1f: {  	s9 =	smul.u32 $0xF7A, s1;
	s8 =	simm.s32 @!p0 $0x1BF5;
	p2 =	por !p2, p0  }
0x20: {  	[sflag:s8] =	ssyncset.s32 @!p0 $0xFFFFF086;
	s6 =	sadd.s32 @!p0 s3, s7;
	s7 =	simm.s32 @!p0 $0x108  }
0x21: {  	s3 =	sadd.s32 s3, s9;
	s6 =	sadd.s32 @!p0 $0x88, s6;
	s7 =	simm.s32 @p2 $0x1082  }
0x22: {  	[simem:s7], [sflag:s8] =	dma.local @!p0 [hbm:s6], $0xF7A  }
0x23: {  	s9 =	sor.u32 $0xD0000000, s2;
	s6 =	simm.s32 $0x108;
	_ =	swait.ge @!p0 [sflag:s8], $0x0  }
0x24: {  	s3 =	sadd.s32 $0x88, s3;
	s6 =	simm.s32 @!p1 $0x1082;
	[sflag:s4] =	ssyncset.s32 $0xFFFFF086  }
0x25: {  	[simem:s6], [sflag:s4] =	dma.local [hbm:s3], $0xF7A  }
0x26: {  	[smem:$0x3F9A] =	sst s1;
	(tag) =	ssettag s2;
	_ =	strace s9  }
0x27: {  	s1 =	sld [smem:$0x3FAA]  }
0x28: {  	s2 =	sld [smem:$0x3FAB]  }
0x29: {  	s4 =	sld [smem:$0x3FAD]  }
0x2a: {  	p0 =	seq.s32 s5, $0x0;
	s5 =	sld [smem:$0x3FAE]  }
0x2b: {  	s6 =	sld [smem:$0x3FAF]  }
0x2c: {  	s7 =	sld [smem:$0x3FB0]  }
0x2d: {  	s3 =	simm.s32 $0x108;
	s8 =	sld [smem:$0x3FB1]  }
0x2e: {  	s3 =	simm.s32 @!p0 $0x1082;
	s9 =	sld [smem:$0x3FB2]  }
0x2f: {  	lr =	sadd.s32 s0, s3;
	s0 =	sld [smem:$0x3FA9]  }
0x30: {  	s3 =	sld [smem:$0x3FAC]  }
0x31: {  	[smem:$0x3FB5] =	sst s10  }
0x32: {  	s10 =	sld [smem:$0x3FB3];
	_ =	sdelay $0x3  }
0x33: {  	p0 =	seq.s32 s10, $0x1;
	s10 =	sld [smem:$0x3FB5];
	_ =	sdelay $0x3  }
0x34: {  	[smem:$0x3FB5] =	sst s10  }
0x35: {  	s10 =	sld [smem:$0x3FB4];
	_ =	sdelay $0x3  }
0x36: {  	p1 =	seq.s32 s10, $0x1;
	s10 =	sld [smem:$0x3FB5];
	_ =	sdelay $0x3  }
0x37: {  	[smem:$0x3FB5] =	sst s10  }
0x38: {  	s10 =	sld [smem:$0x3FB6]  }
0x39: {  	_ = 	snop;
	(pc) =	sbr.ind lr, $3  }
0x3a: {  	_ = 	snop  }
0x3b: {  	_ = 	snop  }
0x3c: {  	p2 =	seq.s32 s10, $0x1;
	s10 =	sld [smem:$0x3FB5]  }
0x3d: {  	_ =	shalt  }
0x3e: {  	_ =	shalt  }
0x3f: {  	_ =	shalt  }
0x40: {  	_ =	shalt  }
0x41: {  	_ =	shalt  }
0x42: {  	_ =	shalt  }
0x43: {  	_ =	shalt  }
0x44: {  	_ =	shalt  }
0x45: {  	_ =	shalt  }
0x46: {  	_ =	shalt  }
0x47: {  	_ =	shalt  }
0x48: {  	_ =	shalt  }
0x49: {  	_ =	shalt  }
0x4a: {  	_ =	shalt  }
0x4b: {  	_ =	shalt  }
0x4c: {  	_ =	shalt  }
0x4d: {  	_ =	shalt  }
0x4e: {  	_ =	shalt  }
0x4f: {  	_ =	shalt  }
0x50: {  	_ =	shalt  }
0x51: {  	_ =	shalt  }
0x52: {  	_ =	shalt  }
0x53: {  	_ =	shalt  }
0x54: {  	_ =	shalt  }
0x55: {  	_ =	shalt  }
0x56: {  	_ =	shalt  }
0x57: {  	_ =	shalt  }
0x58: {  	_ =	shalt  }
0x59: {  	_ =	shalt  }
0x5a: {  	_ =	shalt  }
0x5b: {  	_ =	shalt  }
0x5c: {  	_ =	shalt  }
0x5d: {  	_ =	shalt  }
0x5e: {  	_ =	shalt  }
0x5f: {  	_ =	shalt  }
0x60: {  	_ =	shalt  }
0x61: {  	_ =	shalt  }
0x62: {  	_ =	shalt  }
0x63: {  	_ =	shalt  }
0x64: {  	_ =	shalt  }
0x65: {  	_ =	shalt  }
0x66: {  	_ =	shalt  }
0x67: {  	_ =	shalt  }
0x68: {  	_ =	shalt  }
0x69: {  	_ =	shalt  }
0x6a: {  	_ =	shalt  }
0x6b: {  	_ =	shalt  }
0x6c: {  	_ =	shalt  }
0x6d: {  	_ =	shalt  }
0x6e: {  	_ =	shalt  }
0x6f: {  	_ =	shalt  }
0x70: {  	_ =	shalt  }
0x71: {  	_ =	shalt  }
0x72: {  	_ =	shalt  }
0x73: {  	_ =	shalt  }
0x74: {  	_ =	shalt  }
0x75: {  	_ =	shalt  }
0x76: {  	_ =	shalt  }
0x77: {  	_ =	shalt  }
0x78: {  	_ =	shalt  }
0x79: {  	_ =	shalt  }
0x7a: {  	_ =	shalt  }
0x7b: {  	_ =	shalt  }
0x7c: {  	_ =	shalt  }
0x7d: {  	_ =	shalt  }
0x7e: {  	_ =	shalt  }
0x7f: {  	_ =	shalt  }
0x80: {  	_ =	shalt  }
0x81: {  	_ =	shalt  }
0x82: {  	_ =	shalt  }
0x83: {  	_ =	shalt  }
0x84: {  	_ =	shalt  }
0x85: {  	_ =	shalt  }
0x86: {  	_ =	shalt  }
0x87: {  	_ =	shalt  }
.Lfunc_end0:
.L_simem_size_0:
called_computation.1_lowered:
.L_overlay_start_0:
0x88: {  	s2 =	sld [smem:$0x3FD9]  }
0x89: {  	s3 =	sld [smem:$0x3FFE];
	_ =	sdelay $0x1  }
0x8a: {  	s1 =	srdreg.scid  }
0x8b: {  	s0 =	sand.u32 $0x1, s1  }
0x8c: {  	s17 =	sshll.u32 s0, $0xA;
	s2 =	sadd.s32 s3, s2  }
0x8d: {  	s2 =	sadd.s32 s2, s17  }
0x8e: {  	[smem:$0x3FC1] =	sst s2  }
0x8f: {  	_ = 	snop  }
0x90: {  	s2 =	sld [smem:$0x3FD0];
	(tm) =	ssettm $0x1  }
0x91: {  	s18 =	sld [smem:$0x3FFB];
	_ =	sdelay $0x3  }
0x92: {  	_ =	strace s18  }
0x93: {  	s3 =	sld [smem:$0x3FFC];
	_ =	sdelay $0x3  }
0x94: {  	_ =	strace s3  }
0x95: {  	s3 =	sld [smem:$0x3FFD];
	_ =	sdelay $0x3  }
0x96: {  	_ =	strace s3  }
0x97: {  	_ =	strace $0x8FFFFFFF  }
0x98: {  	s19 =	sld [smem:$0x3FDB];
	_ =	sdelay $0x1  }
0x99: {  	s4 =	simm.s32 $_scs_section_size  }
0x9a: {  	s5 =	simm.s32 $_size__tile_overlayer_lowered;
	s6 =	simm.s32 $_tile_overlayer_lowered  }
0x9b: {  	s22 =	simm.s32 $0x1BFF;
	s21 =	sshll.u32 s6, $0x1;
	s3 =	sadd.s32 s4, s19  }
0x9c: {  	s7 =	simm.s32 $0x0;
	s20 =	sshll.u32 s5, $0x1;
	s5 =	sadd.s32 s21, s3  }
0x9d: {  	[timem:s7], [sflag:s22] =	dma.local [hbm:s5], s20  }
0x9e: {  	_ =	swait.ge [sflag:s22], s20  }
0x9f: {  	s4 =	ssub.s32 $0x0, s20;
	[sflag:s22] =	ssyncset.done $0x0  }
0xa0: {  	[sflag:s22] =	ssyncadd.s32 s4;
	_ =	sdelay $0x1  }
0xa1: {  	s23 =	simm.s32 $0x1B8B  }
0xa2: {  	_ =	swait.ge [sflag:s23], $0x1  }
0xa3: {  	[sflag:s23] =	ssyncset.done $0x0  }
0xa4: {  	s25 =	simm.s32 $0x1B8E;
	s24 =	sld [smem:$0x3FFE];
	[sflag:s23] =	ssyncadd.s32 $0xFFFFFFFF  }
0xa5: {  	s26 =	simm.s32 $execute0_lowered;
	[smem:$0x3FD2] =	sst s25  }
0xa6: {  	s5 =	sshll.u32 s26, $0x1;
	_ =	strace $0x80000049;
	[dreg:$0x1] =	wrdreg $0xFFFFFFFF  }
0xa7: {  	s28 =	simm.s32 $_size_execute0_lowered;
	s3 =	sadd.s32 s3, s5;
	[dreg:$0x0] =	wrdreg $0x0  }
0xa8: {  	s5 =	sshll.u32 s28, $0x1;
	[dreg:$0x2] =	wrdreg s3  }
0xa9: {  	[dreg:$0x3] =	wrdreg s5  }
0xaa: {  	[dreg:$0x4] =	wrdreg $0xC0  }
0xab: {  	_ =	task [dreg:s7], $0x5FFFF  }
0xac: {  	[dreg:$0x1] =	wrdreg $0xFFFFFFFF  }
0xad: {  	[dreg:$0x0] =	wrdreg $0x60  }
0xae: {  	[dreg:$0x2] =	wrdreg s24  }
0xaf: {  	[dreg:$0x3] =	wrdreg s2  }
0xb0: {  	[dreg:$0x4] =	wrdreg $0x80800  }
0xb1: {  	[dreg:$0x5] =	wrdreg $0x9  }
0xb2: {  	_ =	task.clear_ibuf [dreg:s7], $0x6FFFF;
	_ =	strace $0x90000049  }
0xb3: {  	s29 =	simm.s32 $0x9;
	_ =	strace $0x8000004B  }
0xb4: {  	_ =	swait.ge [sflag:s29], $0x1  }
0xb5: {  	[sflag:s29] =	ssyncadd.s32 $0xFFFFFFFF  }
0xb6: {  	_ =	strace $0x9000004B  }
0xb7: {  	_ =	sfence  }
0xb8: {  	s30 =	sld [smem:$0x0];
	_ =	sdelay $0x2  }
0xb9: {  	s31 =	sshll.u32 s1, $0xD;
	s1 =	sshrl.u32 s1, $0x2  }
0xba: {  	s3 =	sand.u32 $0x4000, s31;
	s1 =	sadd.s32 s1, s30  }
0xbb: {  	s0 =	sor.u32 s3, s0;
	s1 =	sshll.u32 s1, $0x11  }
0xbc: {  	s0 =	sor.u32 s1, s0  }
0xbd: {  	s0 =	sadd.s32 $0x8F2B, s0  }
0xbe: {  	[sflag:s0] =	ssyncadd.remote.s32 $0x1  }
0xbf: {  	_ =	sfence.sel $0xFFFF  }
0xc0: {  	[dreg:$0x0] =	wrdreg $0xFFFFFFFF;
	(pc) =	sbr.abs _section_cstart, $3  }
0xc1: {  	[dreg:$0x1] =	wrdreg $0xFFFFFFFF  }
0xc2: {  	_ =	task.clear_ibuf [dreg:s7], $0x2FFFF;
	_ =	strace $0x9FFFFFFF  }
0xc3: {  	(tm) =	ssettm $0x7FFFFFFF  }
tec
execute0_lowered:
.L_overlay_start_1:
0x0: {  	(tag) =	ssettag $0x1  }
0x1: {  	s5 =	rddreg [dreg:$0x0]  }
0x2: {  	s1 =	rddreg [dreg:$0x1]  }
0x3: {  	s2 =	rddreg [dreg:$0x2]  }
0x4: {  	s0 =	rddreg [dreg:$0x3];
	s19 =	stileid.u32  }
0x5: {  	s3 =	simm.s32 $0x0;
	s6 =	srdreg.scid;
	s4 =	smul.u32 $0x50000, s19  }
0x6: {  	s22 =	simm.s32 $0x0;
	s9 =	sand.u32 $0x1, s6;
	s16 =	smul.u32 $0x5000, s19  }
0x7: {  	[smem:$0x7FF] =	sst s3;
	s18 =	sadd.s32 $0x1400, s5;
	s6 =	smul.u32 $0xA0000, s9  }
0x8: {  	s11 =	sadd.s32 $0x191400, s5;
	s12 =	sadd.s32 $0x51400, s5;
	s8 =	smul.u32 $0x500000, s9  }
0x9: {  	p0 =	sne.s32 s19, $0x0;
	s19 =	simm.s32 $0x4080;
	s15 =	smul.u32 $0x28000, s9  }
0xa: {  	_ =	strace $0x8000004A;
	s7 =	ssub.s32 $0x2, s9;
	s21 =	smul.u32 $0x2800, s9  }
0xb: {  	s13 =	sadd.s32 s4, s5;
	s4 =	sadd.s32 $0x29400, s5;
	s26 =	sshrl.u32 s7, $0x1  }
0xc: {  	s14 =	ssub.s32 s7, s26;
	s5 =	sadd.s32 s11, s6;
	s10 =	sshrl.u32 s8, $0x3  }
0xd: {  	s6 =	sadd.s32 s12, s6;
	s15 =	sadd.s32 s15, s13;
	s16 =	sadd.s32 s21, s16  }
0xe: {  	s8 =	sadd.s32 $0x28000, s10;
	s17 =	sadd.s32 $0x50000, s10;
	s20 =	sadd.s32 $0x78000, s10  }
0xf: {  	s13 =	smax.u32 s14, $0x1;
	s14 =	sadd.s32 $0xA0B200, s15;
	s28 =	sshrl.u32 s16, $0x3  }
0x10: {  	s29 =	sadd.s32 $0x50000, s16;
	s30 =	sadd.s32 $0xA0000, s16;
	s21 =	sadd.s32 $0xF0000, s16  }
0x11: {  	s7 =	sadd.s32 s11, s8;
	s8 =	sadd.s32 s12, s8;
	s9 =	sadd.s32 s11, s17  }
0x12: {  	s10 =	sadd.s32 s12, s17;
	s11 =	sadd.s32 s11, s20;
	s12 =	sadd.s32 s12, s20  }
0x13: {  	s15 =	sadd.s32 s28, s18;
	s17 =	sshrl.u32 s29, $0x3;
	s20 =	sshrl.u32 s30, $0x3  }
0x14: {  	s31 =	sshrl.u32 s21, $0x3;
	s21 =	simm.s32 $0x80;
	s16 =	sadd.s32 s17, s18  }
0x15: {  	s17 =	sadd.s32 s20, s18;
	s18 =	sadd.s32 s31, s18;
	s20 =	simm.s32 $0x1  }
.LBB2_1:
0x16: {  	[tilespmem:s19], [sflag:$0x1] =	stream.linear.gather [hbm4b:s1+s3], $0x4000, $0x38;
	[tilespmem:$0x1C080] =	vst v63  }
0x17: {  	_ =	swait.ge [sflag:s20], $0x4000  }
0x18: {  	[sflag:s20] =	ssyncset.done $0x0  }
0x19: {  	s23 =	sshrl.u32 @!p0 s2, $0x3;
	s24 =	simm.s32 @!p0 $0x1C01;
	[sflag:s20] =	ssyncadd.s32 $0xFFFFC000  }
0x1a: {  	[spmem:s23], [sflag:s24] =	dma.local @!p0 [hbm:s4], $0x28000  }
0x1b: {  	s24 =	simm.s32 @!p0 $0x1  }
0x1c: {  	_ =	swait.ge @!p0 [sflag:s24], $0x28000  }
0x1d: {  	[sflag:s24] =	ssyncset.done @!p0 $0x0  }
0x1e: {  	[sflag:s24] =	ssyncadd.s32 @!p0 $0xFFFD8000  }
0x1f: {  	s31 =	sadd.s32 $0x0, s15;
	[bflag:$0x0] =	sbarrier.arrive $0xFFFF  }
0x20: {  	[tilespmem:s3], [sflag:$0x1] =	stream.linear.gather [hbm4b:s31+s3], $0x80, $0x38;
	[tilespmem:$0x1C080] =	vst v63  }
0x21: {  	_ =	swait.ge [sflag:s20], $0x80  }
0x22: {  	[sflag:s20] =	ssyncset.done $0x0  }
0x23: {  	[sflag:s20] =	ssyncadd.s32 $0xFFFFFF80  }
0x24: {  	[tilespmem:s21], [sflag:$0x1] =	stream.linear.gather [hbm4b:s14+s3], $0x4000, $0x38;
	[tilespmem:$0x1C080] =	vst v63  }
0x25: {  	_ =	swait.ge [sflag:s20], $0x4000  }
0x26: {  	[sflag:s20] =	ssyncset.done $0x0  }
0x27: {  	[sflag:s20] =	ssyncadd.s32 $0xFFFFC000  }
0x28: {  	[spmem:s2] =	stream.indirect.scatter.add.f32 [tilespmem:s21], [sflag:$0x1], $0x80, s3, s21, $0xb8;
	[tilespmem:$0x1C080] =	vst v63  }
0x29: {  	s25 =	simm.s32 $0x10;
	_ =	swait.ge [sflag:s20], $0x4000  }
0x2a: {  	s26 =	simm.s32 $0x20;
	s24 =	sadd.s32 $0x800, s14;
	[sflag:s20] =	ssyncset.done $0x0  }
.LBB2_2:
0x2b: {  	s28 =	sadd.s32 s25, s15  }
0x2c: {  	[sflag:s20] =	ssyncadd.s32 $0xFFFFC000;
	s25 =	smov.u32 s26;
	s29 =	sadd.s32 $0x10, s26  }
0x2d: {  	[tilespmem:s3], [sflag:$0x1] =	stream.linear.gather [hbm4b:s28+s3], $0x80, $0x38;
	[tilespmem:$0x1C080] =	vst v63  }
0x2e: {  	p1 =	sne.s32 s26, $0x4F0;
	_ =	swait.ge [sflag:s20], $0x80  }
0x2f: {  	[sflag:s20] =	ssyncset.done $0x0  }
0x30: {  	[sflag:s20] =	ssyncadd.s32 $0xFFFFFF80  }
0x31: {  	[tilespmem:s21], [sflag:$0x1] =	stream.linear.gather [hbm4b:s24+s3], $0x4000, $0x38;
	[tilespmem:$0x1C080] =	vst v63  }
0x32: {  	_ =	swait.ge [sflag:s20], $0x4000  }
.Ltmp0:
0x33: {  	[sflag:s20] =	ssyncset.done $0x0;
	(pc) =	sbr.rel @p1 .LBB2_2-.Ltmp0, $4  }
0x34: {  	[sflag:s20] =	ssyncadd.s32 $0xFFFFC000  }
0x35: {  	[spmem:s2] =	stream.indirect.scatter.add.f32 [tilespmem:s21], [sflag:$0x1], $0x80, s3, s21, $0xb8;
	[tilespmem:$0x1C080] =	vst v63  }
0x36: {  	_ =	swait.ge [sflag:s20], $0x4000  }
0x37: {  	s26 =	smov.u32 s29;
	s24 =	sadd.s32 $0x800, s24;
	[sflag:s20] =	ssyncset.done $0x0  }
0x38: {  	s25 =	sadd.s32 s25, s15;
	[sflag:s20] =	ssyncadd.s32 $0xFFFFC000  }
0x39: {  	[tilespmem:s3], [sflag:$0x1] =	stream.linear.gather [hbm4b:s25+s3], $0x80, $0x38;
	[tilespmem:$0x1C080] =	vst v63  }
0x3a: {  	_ =	swait.ge [sflag:s20], $0x80  }
0x3b: {  	[sflag:s20] =	ssyncset.done $0x0  }
0x3c: {  	[sflag:s20] =	ssyncadd.s32 $0xFFFFFF80  }
0x3d: {  	[tilespmem:s21], [sflag:$0x1] =	stream.linear.gather [hbm4b:s24+s3], $0x4000, $0x38;
	[tilespmem:$0x1C080] =	vst v63  }
0x3e: {  	_ =	swait.ge [sflag:s20], $0x4000  }
0x3f: {  	[sflag:s20] =	ssyncset.done $0x0  }
0x40: {  	[sflag:s20] =	ssyncadd.s32 $0xFFFFC000  }
0x41: {  	[spmem:s2] =	stream.indirect.scatter.add.f32 [tilespmem:s21], [sflag:$0x1], $0x80, s3, s21, $0xb8;
	[tilespmem:$0x1C080] =	vst v63  }
0x42: {  	_ =	swait.ge [sflag:s20], $0x4000  }
0x43: {  	[sflag:s20] =	ssyncset.done $0x0  }
0x44: {  	[sflag:s20] =	ssyncadd.s32 $0xFFFFC000  }
0x45: {  	s25 =	simm.s32 @!p0 $0x1;
	s24 =	simm.s32 @!p0 $0x1C01;
	[bflag:$0x0] =	sbarrier.arrive $0xFFFF  }
0x46: {  	[hbm:s5], [sflag:s24] =	dma.local @!p0 [spmem:s23], $0x28000  }
0x47: {  	_ =	swait.ge @!p0 [sflag:s25], $0x28000  }
0x48: {  	[sflag:s25] =	ssyncset.done @!p0 $0x0  }
0x49: {  	[sflag:s25] =	ssyncadd.s32 @!p0 $0xFFFD8000  }
0x4a: {  	[spmem:s23], [sflag:s24] =	dma.local @!p0 [hbm:s4], $0x28000  }
0x4b: {  	_ =	swait.ge @!p0 [sflag:s25], $0x28000  }
0x4c: {  	[sflag:s25] =	ssyncset.done @!p0 $0x0  }
0x4d: {  	[sflag:s25] =	ssyncadd.s32 @!p0 $0xFFFD8000  }
0x4e: {  	s31 =	sadd.s32 $0x0, s15;
	[bflag:$0x0] =	sbarrier.arrive $0xFFFF  }
0x4f: {  	[tilespmem:s3], [sflag:$0x1] =	stream.linear.gather [hbm4b:s31+s3], $0x80, $0x38;
	[tilespmem:$0x1C080] =	vst v63  }
0x50: {  	_ =	swait.ge [sflag:s20], $0x80  }
0x51: {  	[sflag:s20] =	ssyncset.done $0x0  }
0x52: {  	[sflag:s20] =	ssyncadd.s32 $0xFFFFFF80  }
0x53: {  	[spmem:s2] =	stream.indirect.scatter.add.f32 [tilespmem:s19], [sflag:$0x1], $0x80, s3, s21, $0xb8;
	[tilespmem:$0x1C080] =	vst v63  }
0x54: {  	_ =	swait.ge [sflag:s20], $0x4000  }
0x55: {  	s24 =	simm.s32 $0x10;
	s25 =	simm.s32 $0x20;
	[sflag:s20] =	ssyncset.done $0x0  }
.LBB2_4:
0x56: {  	s26 =	sadd.s32 s24, s15  }
0x57: {  	[sflag:s20] =	ssyncadd.s32 $0xFFFFC000;
	s24 =	smov.u32 s25;
	s28 =	sadd.s32 $0x10, s25  }
0x58: {  	[tilespmem:s3], [sflag:$0x1] =	stream.linear.gather [hbm4b:s26+s3], $0x80, $0x38;
	[tilespmem:$0x1C080] =	vst v63  }
0x59: {  	p1 =	sne.s32 s25, $0x4F0;
	_ =	swait.ge [sflag:s20], $0x80  }
.Ltmp1:
0x5a: {  	[sflag:s20] =	ssyncset.done $0x0;
	(pc) =	sbr.rel @p1 .LBB2_4-.Ltmp1, $4  }
0x5b: {  	[sflag:s20] =	ssyncadd.s32 $0xFFFFFF80  }
0x5c: {  	[spmem:s2] =	stream.indirect.scatter.add.f32 [tilespmem:s19], [sflag:$0x1], $0x80, s3, s21, $0xb8;
	[tilespmem:$0x1C080] =	vst v63  }
0x5d: {  	_ =	swait.ge [sflag:s20], $0x4000  }
0x5e: {  	s25 =	smov.u32 s28;
	[sflag:s20] =	ssyncset.done $0x0  }
0x5f: {  	s24 =	sadd.s32 s24, s15;
	[sflag:s20] =	ssyncadd.s32 $0xFFFFC000  }
0x60: {  	[tilespmem:s3], [sflag:$0x1] =	stream.linear.gather [hbm4b:s24+s3], $0x80, $0x38;
	[tilespmem:$0x1C080] =	vst v63  }
0x61: {  	_ =	swait.ge [sflag:s20], $0x80  }
0x62: {  	[sflag:s20] =	ssyncset.done $0x0  }
0x63: {  	[sflag:s20] =	ssyncadd.s32 $0xFFFFFF80  }
0x64: {  	[spmem:s2] =	stream.indirect.scatter.add.f32 [tilespmem:s19], [sflag:$0x1], $0x80, s3, s21, $0xb8;
	[tilespmem:$0x1C080] =	vst v63  }
0x65: {  	_ =	swait.ge [sflag:s20], $0x4000  }
0x66: {  	[sflag:s20] =	ssyncset.done $0x0  }
0x67: {  	[sflag:s20] =	ssyncadd.s32 $0xFFFFC000  }
0x68: {  	s25 =	simm.s32 @!p0 $0x1;
	s24 =	simm.s32 @!p0 $0x1C01;
	[bflag:$0x0] =	sbarrier.arrive $0xFFFF  }
0x69: {  	[hbm:s6], [sflag:s24] =	dma.local @!p0 [spmem:s23], $0x28000  }
0x6a: {  	_ =	swait.ge @!p0 [sflag:s25], $0x28000  }
0x6b: {  	[sflag:s25] =	ssyncset.done @!p0 $0x0  }
0x6c: {  	[sflag:s25] =	ssyncadd.s32 @!p0 $0xFFFD8000  }
0x6d: {  	[spmem:s23], [sflag:s24] =	dma.local @!p0 [hbm:s4], $0x28000  }
0x6e: {  	_ =	swait.ge @!p0 [sflag:s25], $0x28000  }
0x6f: {  	[sflag:s25] =	ssyncset.done @!p0 $0x0  }
0x70: {  	[sflag:s25] =	ssyncadd.s32 @!p0 $0xFFFD8000  }
0x71: {  	s31 =	sadd.s32 $0x0, s16;
	[bflag:$0x0] =	sbarrier.arrive $0xFFFF  }
0x72: {  	[tilespmem:s3], [sflag:$0x1] =	stream.linear.gather [hbm4b:s31+s3], $0x80, $0x38;
	[tilespmem:$0x1C080] =	vst v63  }
0x73: {  	_ =	swait.ge [sflag:s20], $0x80  }
0x74: {  	[sflag:s20] =	ssyncset.done $0x0  }
0x75: {  	[sflag:s20] =	ssyncadd.s32 $0xFFFFFF80  }
0x76: {  	[tilespmem:s21], [sflag:$0x1] =	stream.linear.gather [hbm4b:s14+s3], $0x4000, $0x38;
	[tilespmem:$0x1C080] =	vst v63  }
0x77: {  	_ =	swait.ge [sflag:s20], $0x4000  }
0x78: {  	[sflag:s20] =	ssyncset.done $0x0  }
0x79: {  	[sflag:s20] =	ssyncadd.s32 $0xFFFFC000  }
0x7a: {  	[spmem:s2] =	stream.indirect.scatter.add.f32 [tilespmem:s21], [sflag:$0x1], $0x80, s3, s21, $0xb8;
	[tilespmem:$0x1C080] =	vst v63  }
0x7b: {  	s26 =	simm.s32 $0x20;
	_ =	swait.ge [sflag:s20], $0x4000  }
0x7c: {  	s24 =	sadd.s32 $0x800, s14;
	s25 =	simm.s32 $0x10;
	[sflag:s20] =	ssyncset.done $0x0  }
.LBB2_6:
0x7d: {  	s28 =	sadd.s32 s25, s16  }
0x7e: {  	[sflag:s20] =	ssyncadd.s32 $0xFFFFC000;
	s25 =	smov.u32 s26;
	s29 =	sadd.s32 $0x10, s26  }
0x7f: {  	[tilespmem:s3], [sflag:$0x1] =	stream.linear.gather [hbm4b:s28+s3], $0x80, $0x38;
	[tilespmem:$0x1C080] =	vst v63  }
0x80: {  	p1 =	sne.s32 s26, $0x4F0;
	_ =	swait.ge [sflag:s20], $0x80  }
0x81: {  	[sflag:s20] =	ssyncset.done $0x0  }
0x82: {  	[sflag:s20] =	ssyncadd.s32 $0xFFFFFF80  }
0x83: {  	[tilespmem:s21], [sflag:$0x1] =	stream.linear.gather [hbm4b:s24+s3], $0x4000, $0x38;
	[tilespmem:$0x1C080] =	vst v63  }
0x84: {  	_ =	swait.ge [sflag:s20], $0x4000  }
.Ltmp2:
0x85: {  	[sflag:s20] =	ssyncset.done $0x0;
	(pc) =	sbr.rel @p1 .LBB2_6-.Ltmp2, $4  }
0x86: {  	[sflag:s20] =	ssyncadd.s32 $0xFFFFC000  }
0x87: {  	[spmem:s2] =	stream.indirect.scatter.add.f32 [tilespmem:s21], [sflag:$0x1], $0x80, s3, s21, $0xb8;
	[tilespmem:$0x1C080] =	vst v63  }
0x88: {  	_ =	swait.ge [sflag:s20], $0x4000  }
0x89: {  	s26 =	smov.u32 s29;
	s24 =	sadd.s32 $0x800, s24;
	[sflag:s20] =	ssyncset.done $0x0  }
0x8a: {  	s25 =	sadd.s32 s25, s16;
	[sflag:s20] =	ssyncadd.s32 $0xFFFFC000  }
0x8b: {  	[tilespmem:s3], [sflag:$0x1] =	stream.linear.gather [hbm4b:s25+s3], $0x80, $0x38;
	[tilespmem:$0x1C080] =	vst v63  }
0x8c: {  	_ =	swait.ge [sflag:s20], $0x80  }
0x8d: {  	[sflag:s20] =	ssyncset.done $0x0  }
0x8e: {  	[sflag:s20] =	ssyncadd.s32 $0xFFFFFF80  }
0x8f: {  	[tilespmem:s21], [sflag:$0x1] =	stream.linear.gather [hbm4b:s24+s3], $0x4000, $0x38;
	[tilespmem:$0x1C080] =	vst v63  }
0x90: {  	_ =	swait.ge [sflag:s20], $0x4000  }
0x91: {  	[sflag:s20] =	ssyncset.done $0x0  }
0x92: {  	[sflag:s20] =	ssyncadd.s32 $0xFFFFC000  }
0x93: {  	[spmem:s2] =	stream.indirect.scatter.add.f32 [tilespmem:s21], [sflag:$0x1], $0x80, s3, s21, $0xb8;
	[tilespmem:$0x1C080] =	vst v63  }
0x94: {  	_ =	swait.ge [sflag:s20], $0x4000  }
0x95: {  	[sflag:s20] =	ssyncset.done $0x0  }
0x96: {  	[sflag:s20] =	ssyncadd.s32 $0xFFFFC000  }
0x97: {  	s25 =	simm.s32 @!p0 $0x1;
	s24 =	simm.s32 @!p0 $0x1C01;
	[bflag:$0x0] =	sbarrier.arrive $0xFFFF  }
0x98: {  	[hbm:s7], [sflag:s24] =	dma.local @!p0 [spmem:s23], $0x28000  }
0x99: {  	_ =	swait.ge @!p0 [sflag:s25], $0x28000  }
0x9a: {  	[sflag:s25] =	ssyncset.done @!p0 $0x0  }
0x9b: {  	[sflag:s25] =	ssyncadd.s32 @!p0 $0xFFFD8000  }
0x9c: {  	[spmem:s23], [sflag:s24] =	dma.local @!p0 [hbm:s4], $0x28000  }
0x9d: {  	_ =	swait.ge @!p0 [sflag:s25], $0x28000  }
0x9e: {  	[sflag:s25] =	ssyncset.done @!p0 $0x0  }
0x9f: {  	[sflag:s25] =	ssyncadd.s32 @!p0 $0xFFFD8000  }
0xa0: {  	s31 =	sadd.s32 $0x0, s16;
	[bflag:$0x0] =	sbarrier.arrive $0xFFFF  }
0xa1: {  	[tilespmem:s3], [sflag:$0x1] =	stream.linear.gather [hbm4b:s31+s3], $0x80, $0x38;
	[tilespmem:$0x1C080] =	vst v63  }
0xa2: {  	_ =	swait.ge [sflag:s20], $0x80  }
0xa3: {  	[sflag:s20] =	ssyncset.done $0x0  }
0xa4: {  	[sflag:s20] =	ssyncadd.s32 $0xFFFFFF80  }
0xa5: {  	[spmem:s2] =	stream.indirect.scatter.add.f32 [tilespmem:s19], [sflag:$0x1], $0x80, s3, s21, $0xb8;
	[tilespmem:$0x1C080] =	vst v63  }
0xa6: {  	_ =	swait.ge [sflag:s20], $0x4000  }
0xa7: {  	s24 =	simm.s32 $0x10;
	s25 =	simm.s32 $0x20;
	[sflag:s20] =	ssyncset.done $0x0  }
.LBB2_8:
0xa8: {  	s26 =	sadd.s32 s24, s16  }
0xa9: {  	[sflag:s20] =	ssyncadd.s32 $0xFFFFC000;
	s24 =	smov.u32 s25;
	s28 =	sadd.s32 $0x10, s25  }
0xaa: {  	[tilespmem:s3], [sflag:$0x1] =	stream.linear.gather [hbm4b:s26+s3], $0x80, $0x38;
	[tilespmem:$0x1C080] =	vst v63  }
0xab: {  	p1 =	sne.s32 s25, $0x4F0;
	_ =	swait.ge [sflag:s20], $0x80  }
.Ltmp3:
0xac: {  	[sflag:s20] =	ssyncset.done $0x0;
	(pc) =	sbr.rel @p1 .LBB2_8-.Ltmp3, $4  }
0xad: {  	[sflag:s20] =	ssyncadd.s32 $0xFFFFFF80  }
0xae: {  	[spmem:s2] =	stream.indirect.scatter.add.f32 [tilespmem:s19], [sflag:$0x1], $0x80, s3, s21, $0xb8;
	[tilespmem:$0x1C080] =	vst v63  }
0xaf: {  	_ =	swait.ge [sflag:s20], $0x4000  }
0xb0: {  	s25 =	smov.u32 s28;
	[sflag:s20] =	ssyncset.done $0x0  }
0xb1: {  	s24 =	sadd.s32 s24, s16;
	[sflag:s20] =	ssyncadd.s32 $0xFFFFC000  }
0xb2: {  	[tilespmem:s3], [sflag:$0x1] =	stream.linear.gather [hbm4b:s24+s3], $0x80, $0x38;
	[tilespmem:$0x1C080] =	vst v63  }
0xb3: {  	_ =	swait.ge [sflag:s20], $0x80  }
0xb4: {  	[sflag:s20] =	ssyncset.done $0x0  }
0xb5: {  	[sflag:s20] =	ssyncadd.s32 $0xFFFFFF80  }
0xb6: {  	[spmem:s2] =	stream.indirect.scatter.add.f32 [tilespmem:s19], [sflag:$0x1], $0x80, s3, s21, $0xb8;
	[tilespmem:$0x1C080] =	vst v63  }
0xb7: {  	_ =	swait.ge [sflag:s20], $0x4000  }
0xb8: {  	[sflag:s20] =	ssyncset.done $0x0  }
0xb9: {  	[sflag:s20] =	ssyncadd.s32 $0xFFFFC000  }
0xba: {  	s25 =	simm.s32 @!p0 $0x1;
	s24 =	simm.s32 @!p0 $0x1C01;
	[bflag:$0x0] =	sbarrier.arrive $0xFFFF  }
0xbb: {  	[hbm:s8], [sflag:s24] =	dma.local @!p0 [spmem:s23], $0x28000  }
0xbc: {  	_ =	swait.ge @!p0 [sflag:s25], $0x28000  }
0xbd: {  	[sflag:s25] =	ssyncset.done @!p0 $0x0  }
0xbe: {  	[sflag:s25] =	ssyncadd.s32 @!p0 $0xFFFD8000  }
0xbf: {  	[spmem:s23], [sflag:s24] =	dma.local @!p0 [hbm:s4], $0x28000  }
0xc0: {  	_ =	swait.ge @!p0 [sflag:s25], $0x28000  }
0xc1: {  	[sflag:s25] =	ssyncset.done @!p0 $0x0  }
0xc2: {  	[sflag:s25] =	ssyncadd.s32 @!p0 $0xFFFD8000  }
0xc3: {  	s31 =	sadd.s32 $0x0, s17;
	[bflag:$0x0] =	sbarrier.arrive $0xFFFF  }
0xc4: {  	[tilespmem:s3], [sflag:$0x1] =	stream.linear.gather [hbm4b:s31+s3], $0x80, $0x38;
	[tilespmem:$0x1C080] =	vst v63  }
0xc5: {  	_ =	swait.ge [sflag:s20], $0x80  }
0xc6: {  	[sflag:s20] =	ssyncset.done $0x0  }
0xc7: {  	[sflag:s20] =	ssyncadd.s32 $0xFFFFFF80  }
0xc8: {  	[tilespmem:s21], [sflag:$0x1] =	stream.linear.gather [hbm4b:s14+s3], $0x4000, $0x38;
	[tilespmem:$0x1C080] =	vst v63  }
0xc9: {  	_ =	swait.ge [sflag:s20], $0x4000  }
0xca: {  	[sflag:s20] =	ssyncset.done $0x0  }
0xcb: {  	[sflag:s20] =	ssyncadd.s32 $0xFFFFC000  }
0xcc: {  	[spmem:s2] =	stream.indirect.scatter.add.f32 [tilespmem:s21], [sflag:$0x1], $0x80, s3, s21, $0xb8;
	[tilespmem:$0x1C080] =	vst v63  }
0xcd: {  	s26 =	simm.s32 $0x20;
	_ =	swait.ge [sflag:s20], $0x4000  }
0xce: {  	s24 =	sadd.s32 $0x800, s14;
	s25 =	simm.s32 $0x10;
	[sflag:s20] =	ssyncset.done $0x0  }
.LBB2_10:
0xcf: {  	s28 =	sadd.s32 s25, s17  }
0xd0: {  	[sflag:s20] =	ssyncadd.s32 $0xFFFFC000;
	s25 =	smov.u32 s26;
	s29 =	sadd.s32 $0x10, s26  }
0xd1: {  	[tilespmem:s3], [sflag:$0x1] =	stream.linear.gather [hbm4b:s28+s3], $0x80, $0x38;
	[tilespmem:$0x1C080] =	vst v63  }
0xd2: {  	p1 =	sne.s32 s26, $0x4F0;
	_ =	swait.ge [sflag:s20], $0x80  }
0xd3: {  	[sflag:s20] =	ssyncset.done $0x0  }
0xd4: {  	[sflag:s20] =	ssyncadd.s32 $0xFFFFFF80  }
0xd5: {  	[tilespmem:s21], [sflag:$0x1] =	stream.linear.gather [hbm4b:s24+s3], $0x4000, $0x38;
	[tilespmem:$0x1C080] =	vst v63  }
0xd6: {  	_ =	swait.ge [sflag:s20], $0x4000  }
.Ltmp4:
0xd7: {  	[sflag:s20] =	ssyncset.done $0x0;
	(pc) =	sbr.rel @p1 .LBB2_10-.Ltmp4, $4  }
0xd8: {  	[sflag:s20] =	ssyncadd.s32 $0xFFFFC000  }
0xd9: {  	[spmem:s2] =	stream.indirect.scatter.add.f32 [tilespmem:s21], [sflag:$0x1], $0x80, s3, s21, $0xb8;
	[tilespmem:$0x1C080] =	vst v63  }
0xda: {  	_ =	swait.ge [sflag:s20], $0x4000  }
0xdb: {  	s26 =	smov.u32 s29;
	s24 =	sadd.s32 $0x800, s24;
	[sflag:s20] =	ssyncset.done $0x0  }
0xdc: {  	s25 =	sadd.s32 s25, s17;
	[sflag:s20] =	ssyncadd.s32 $0xFFFFC000  }
0xdd: {  	[tilespmem:s3], [sflag:$0x1] =	stream.linear.gather [hbm4b:s25+s3], $0x80, $0x38;
	[tilespmem:$0x1C080] =	vst v63  }
0xde: {  	_ =	swait.ge [sflag:s20], $0x80  }
0xdf: {  	[sflag:s20] =	ssyncset.done $0x0  }
0xe0: {  	[sflag:s20] =	ssyncadd.s32 $0xFFFFFF80  }
0xe1: {  	[tilespmem:s21], [sflag:$0x1] =	stream.linear.gather [hbm4b:s24+s3], $0x4000, $0x38;
	[tilespmem:$0x1C080] =	vst v63  }
0xe2: {  	_ =	swait.ge [sflag:s20], $0x4000  }
0xe3: {  	[sflag:s20] =	ssyncset.done $0x0  }
0xe4: {  	[sflag:s20] =	ssyncadd.s32 $0xFFFFC000  }
0xe5: {  	[spmem:s2] =	stream.indirect.scatter.add.f32 [tilespmem:s21], [sflag:$0x1], $0x80, s3, s21, $0xb8;
	[tilespmem:$0x1C080] =	vst v63  }
0xe6: {  	_ =	swait.ge [sflag:s20], $0x4000  }
0xe7: {  	[sflag:s20] =	ssyncset.done $0x0  }
0xe8: {  	[sflag:s20] =	ssyncadd.s32 $0xFFFFC000  }
0xe9: {  	s25 =	simm.s32 @!p0 $0x1;
	s24 =	simm.s32 @!p0 $0x1C01;
	[bflag:$0x0] =	sbarrier.arrive $0xFFFF  }
0xea: {  	[hbm:s9], [sflag:s24] =	dma.local @!p0 [spmem:s23], $0x28000  }
0xeb: {  	_ =	swait.ge @!p0 [sflag:s25], $0x28000  }
0xec: {  	[sflag:s25] =	ssyncset.done @!p0 $0x0  }
0xed: {  	[sflag:s25] =	ssyncadd.s32 @!p0 $0xFFFD8000  }
0xee: {  	[spmem:s23], [sflag:s24] =	dma.local @!p0 [hbm:s4], $0x28000  }
0xef: {  	_ =	swait.ge @!p0 [sflag:s25], $0x28000  }
0xf0: {  	[sflag:s25] =	ssyncset.done @!p0 $0x0  }
0xf1: {  	[sflag:s25] =	ssyncadd.s32 @!p0 $0xFFFD8000  }
0xf2: {  	s31 =	sadd.s32 $0x0, s17;
	[bflag:$0x0] =	sbarrier.arrive $0xFFFF  }
0xf3: {  	[tilespmem:s3], [sflag:$0x1] =	stream.linear.gather [hbm4b:s31+s3], $0x80, $0x38;
	[tilespmem:$0x1C080] =	vst v63  }
0xf4: {  	_ =	swait.ge [sflag:s20], $0x80  }
0xf5: {  	[sflag:s20] =	ssyncset.done $0x0  }
0xf6: {  	[sflag:s20] =	ssyncadd.s32 $0xFFFFFF80  }
0xf7: {  	[spmem:s2] =	stream.indirect.scatter.add.f32 [tilespmem:s19], [sflag:$0x1], $0x80, s3, s21, $0xb8;
	[tilespmem:$0x1C080] =	vst v63  }
0xf8: {  	_ =	swait.ge [sflag:s20], $0x4000  }
0xf9: {  	s24 =	simm.s32 $0x10;
	s25 =	simm.s32 $0x20;
	[sflag:s20] =	ssyncset.done $0x0  }
.LBB2_12:
0xfa: {  	s26 =	sadd.s32 s24, s17  }
0xfb: {  	[sflag:s20] =	ssyncadd.s32 $0xFFFFC000;
	s24 =	smov.u32 s25;
	s28 =	sadd.s32 $0x10, s25  }
0xfc: {  	[tilespmem:s3], [sflag:$0x1] =	stream.linear.gather [hbm4b:s26+s3], $0x80, $0x38;
	[tilespmem:$0x1C080] =	vst v63  }
0xfd: {  	p1 =	sne.s32 s25, $0x4F0;
	_ =	swait.ge [sflag:s20], $0x80  }
.Ltmp5:
0xfe: {  	[sflag:s20] =	ssyncset.done $0x0;
	(pc) =	sbr.rel @p1 .LBB2_12-.Ltmp5, $4  }
0xff: {  	[sflag:s20] =	ssyncadd.s32 $0xFFFFFF80  }
0x100: {  	[spmem:s2] =	stream.indirect.scatter.add.f32 [tilespmem:s19], [sflag:$0x1], $0x80, s3, s21, $0xb8;
	[tilespmem:$0x1C080] =	vst v63  }
0x101: {  	_ =	swait.ge [sflag:s20], $0x4000  }
0x102: {  	s25 =	smov.u32 s28;
	[sflag:s20] =	ssyncset.done $0x0  }
0x103: {  	s24 =	sadd.s32 s24, s17;
	[sflag:s20] =	ssyncadd.s32 $0xFFFFC000  }
0x104: {  	[tilespmem:s3], [sflag:$0x1] =	stream.linear.gather [hbm4b:s24+s3], $0x80, $0x38;
	[tilespmem:$0x1C080] =	vst v63  }
0x105: {  	_ =	swait.ge [sflag:s20], $0x80  }
0x106: {  	[sflag:s20] =	ssyncset.done $0x0  }
0x107: {  	[sflag:s20] =	ssyncadd.s32 $0xFFFFFF80  }
0x108: {  	[spmem:s2] =	stream.indirect.scatter.add.f32 [tilespmem:s19], [sflag:$0x1], $0x80, s3, s21, $0xb8;
	[tilespmem:$0x1C080] =	vst v63  }
0x109: {  	_ =	swait.ge [sflag:s20], $0x4000  }
0x10a: {  	[sflag:s20] =	ssyncset.done $0x0  }
0x10b: {  	[sflag:s20] =	ssyncadd.s32 $0xFFFFC000  }
0x10c: {  	s25 =	simm.s32 @!p0 $0x1;
	s24 =	simm.s32 @!p0 $0x1C01;
	[bflag:$0x0] =	sbarrier.arrive $0xFFFF  }
0x10d: {  	[hbm:s10], [sflag:s24] =	dma.local @!p0 [spmem:s23], $0x28000  }
0x10e: {  	_ =	swait.ge @!p0 [sflag:s25], $0x28000  }
0x10f: {  	[sflag:s25] =	ssyncset.done @!p0 $0x0  }
0x110: {  	[sflag:s25] =	ssyncadd.s32 @!p0 $0xFFFD8000  }
0x111: {  	[spmem:s23], [sflag:s24] =	dma.local @!p0 [hbm:s4], $0x28000  }
0x112: {  	_ =	swait.ge @!p0 [sflag:s25], $0x28000  }
0x113: {  	[sflag:s25] =	ssyncset.done @!p0 $0x0  }
0x114: {  	[sflag:s25] =	ssyncadd.s32 @!p0 $0xFFFD8000  }
0x115: {  	s31 =	sadd.s32 $0x0, s18;
	[bflag:$0x0] =	sbarrier.arrive $0xFFFF  }
0x116: {  	[tilespmem:s3], [sflag:$0x1] =	stream.linear.gather [hbm4b:s31+s3], $0x80, $0x38;
	[tilespmem:$0x1C080] =	vst v63  }
0x117: {  	_ =	swait.ge [sflag:s20], $0x80  }
0x118: {  	[sflag:s20] =	ssyncset.done $0x0  }
0x119: {  	[sflag:s20] =	ssyncadd.s32 $0xFFFFFF80  }
0x11a: {  	[tilespmem:s21], [sflag:$0x1] =	stream.linear.gather [hbm4b:s14+s3], $0x4000, $0x38;
	[tilespmem:$0x1C080] =	vst v63  }
0x11b: {  	_ =	swait.ge [sflag:s20], $0x4000  }
0x11c: {  	[sflag:s20] =	ssyncset.done $0x0  }
0x11d: {  	[sflag:s20] =	ssyncadd.s32 $0xFFFFC000  }
0x11e: {  	[spmem:s2] =	stream.indirect.scatter.add.f32 [tilespmem:s21], [sflag:$0x1], $0x80, s3, s21, $0xb8;
	[tilespmem:$0x1C080] =	vst v63  }
0x11f: {  	s26 =	simm.s32 $0x20;
	_ =	swait.ge [sflag:s20], $0x4000  }
0x120: {  	s24 =	sadd.s32 $0x800, s14;
	s25 =	simm.s32 $0x10;
	[sflag:s20] =	ssyncset.done $0x0  }
.LBB2_14:
0x121: {  	s28 =	sadd.s32 s25, s18  }
0x122: {  	[sflag:s20] =	ssyncadd.s32 $0xFFFFC000;
	s25 =	smov.u32 s26;
	s29 =	sadd.s32 $0x10, s26  }
0x123: {  	[tilespmem:s3], [sflag:$0x1] =	stream.linear.gather [hbm4b:s28+s3], $0x80, $0x38;
	[tilespmem:$0x1C080] =	vst v63  }
0x124: {  	p1 =	sne.s32 s26, $0x4F0;
	_ =	swait.ge [sflag:s20], $0x80  }
0x125: {  	[sflag:s20] =	ssyncset.done $0x0  }
0x126: {  	[sflag:s20] =	ssyncadd.s32 $0xFFFFFF80  }
0x127: {  	[tilespmem:s21], [sflag:$0x1] =	stream.linear.gather [hbm4b:s24+s3], $0x4000, $0x38;
	[tilespmem:$0x1C080] =	vst v63  }
0x128: {  	_ =	swait.ge [sflag:s20], $0x4000  }
.Ltmp6:
0x129: {  	[sflag:s20] =	ssyncset.done $0x0;
	(pc) =	sbr.rel @p1 .LBB2_14-.Ltmp6, $4  }
0x12a: {  	[sflag:s20] =	ssyncadd.s32 $0xFFFFC000  }
0x12b: {  	[spmem:s2] =	stream.indirect.scatter.add.f32 [tilespmem:s21], [sflag:$0x1], $0x80, s3, s21, $0xb8;
	[tilespmem:$0x1C080] =	vst v63  }
0x12c: {  	_ =	swait.ge [sflag:s20], $0x4000  }
0x12d: {  	s26 =	smov.u32 s29;
	s24 =	sadd.s32 $0x800, s24;
	[sflag:s20] =	ssyncset.done $0x0  }
0x12e: {  	s25 =	sadd.s32 s25, s18;
	[sflag:s20] =	ssyncadd.s32 $0xFFFFC000  }
0x12f: {  	[tilespmem:s3], [sflag:$0x1] =	stream.linear.gather [hbm4b:s25+s3], $0x80, $0x38;
	[tilespmem:$0x1C080] =	vst v63  }
0x130: {  	_ =	swait.ge [sflag:s20], $0x80  }
0x131: {  	[sflag:s20] =	ssyncset.done $0x0  }
0x132: {  	[sflag:s20] =	ssyncadd.s32 $0xFFFFFF80  }
0x133: {  	[tilespmem:s21], [sflag:$0x1] =	stream.linear.gather [hbm4b:s24+s3], $0x4000, $0x38;
	[tilespmem:$0x1C080] =	vst v63  }
0x134: {  	_ =	swait.ge [sflag:s20], $0x4000  }
0x135: {  	[sflag:s20] =	ssyncset.done $0x0  }
0x136: {  	[sflag:s20] =	ssyncadd.s32 $0xFFFFC000  }
0x137: {  	[spmem:s2] =	stream.indirect.scatter.add.f32 [tilespmem:s21], [sflag:$0x1], $0x80, s3, s21, $0xb8;
	[tilespmem:$0x1C080] =	vst v63  }
0x138: {  	_ =	swait.ge [sflag:s20], $0x4000  }
0x139: {  	[sflag:s20] =	ssyncset.done $0x0  }
0x13a: {  	[sflag:s20] =	ssyncadd.s32 $0xFFFFC000  }
0x13b: {  	s25 =	simm.s32 @!p0 $0x1;
	s24 =	simm.s32 @!p0 $0x1C01;
	[bflag:$0x0] =	sbarrier.arrive $0xFFFF  }
0x13c: {  	[hbm:s11], [sflag:s24] =	dma.local @!p0 [spmem:s23], $0x28000  }
0x13d: {  	_ =	swait.ge @!p0 [sflag:s25], $0x28000  }
0x13e: {  	[sflag:s25] =	ssyncset.done @!p0 $0x0  }
0x13f: {  	[sflag:s25] =	ssyncadd.s32 @!p0 $0xFFFD8000  }
0x140: {  	[spmem:s23], [sflag:s24] =	dma.local @!p0 [hbm:s4], $0x28000  }
0x141: {  	_ =	swait.ge @!p0 [sflag:s25], $0x28000  }
0x142: {  	[sflag:s25] =	ssyncset.done @!p0 $0x0  }
0x143: {  	[sflag:s25] =	ssyncadd.s32 @!p0 $0xFFFD8000  }
0x144: {  	s31 =	sadd.s32 $0x0, s18;
	[bflag:$0x0] =	sbarrier.arrive $0xFFFF  }
0x145: {  	[tilespmem:s3], [sflag:$0x1] =	stream.linear.gather [hbm4b:s31+s3], $0x80, $0x38;
	[tilespmem:$0x1C080] =	vst v63  }
0x146: {  	_ =	swait.ge [sflag:s20], $0x80  }
0x147: {  	[sflag:s20] =	ssyncset.done $0x0  }
0x148: {  	[sflag:s20] =	ssyncadd.s32 $0xFFFFFF80  }
0x149: {  	[spmem:s2] =	stream.indirect.scatter.add.f32 [tilespmem:s19], [sflag:$0x1], $0x80, s3, s21, $0xb8;
	[tilespmem:$0x1C080] =	vst v63  }
0x14a: {  	_ =	swait.ge [sflag:s20], $0x4000  }
0x14b: {  	s24 =	simm.s32 $0x10;
	s25 =	simm.s32 $0x20;
	[sflag:s20] =	ssyncset.done $0x0  }
.LBB2_16:
0x14c: {  	s26 =	sadd.s32 s24, s18  }
0x14d: {  	[sflag:s20] =	ssyncadd.s32 $0xFFFFC000;
	s24 =	smov.u32 s25;
	s28 =	sadd.s32 $0x10, s25  }
0x14e: {  	[tilespmem:s3], [sflag:$0x1] =	stream.linear.gather [hbm4b:s26+s3], $0x80, $0x38;
	[tilespmem:$0x1C080] =	vst v63  }
0x14f: {  	p1 =	sne.s32 s25, $0x4F0;
	_ =	swait.ge [sflag:s20], $0x80  }
.Ltmp7:
0x150: {  	[sflag:s20] =	ssyncset.done $0x0;
	(pc) =	sbr.rel @p1 .LBB2_16-.Ltmp7, $4  }
0x151: {  	[sflag:s20] =	ssyncadd.s32 $0xFFFFFF80  }
0x152: {  	[spmem:s2] =	stream.indirect.scatter.add.f32 [tilespmem:s19], [sflag:$0x1], $0x80, s3, s21, $0xb8;
	[tilespmem:$0x1C080] =	vst v63  }
0x153: {  	_ =	swait.ge [sflag:s20], $0x4000  }
0x154: {  	s25 =	smov.u32 s28;
	[sflag:s20] =	ssyncset.done $0x0  }
0x155: {  	s24 =	sadd.s32 s24, s18;
	[sflag:s20] =	ssyncadd.s32 $0xFFFFC000  }
0x156: {  	[tilespmem:s3], [sflag:$0x1] =	stream.linear.gather [hbm4b:s24+s3], $0x80, $0x38;
	[tilespmem:$0x1C080] =	vst v63  }
0x157: {  	_ =	swait.ge [sflag:s20], $0x80  }
0x158: {  	[sflag:s20] =	ssyncset.done $0x0  }
0x159: {  	[sflag:s20] =	ssyncadd.s32 $0xFFFFFF80  }
0x15a: {  	[spmem:s2] =	stream.indirect.scatter.add.f32 [tilespmem:s19], [sflag:$0x1], $0x80, s3, s21, $0xb8;
	[tilespmem:$0x1C080] =	vst v63  }
0x15b: {  	_ =	swait.ge [sflag:s20], $0x4000  }
0x15c: {  	[sflag:s20] =	ssyncset.done $0x0  }
0x15d: {  	s22 =	sadd.s32 $0x1, s22;
	[sflag:s20] =	ssyncadd.s32 $0xFFFFC000  }
0x15e: {  	s24 =	simm.s32 @!p0 $0x1C01;
	p1 =	sne.s32 s22, s13;
	[bflag:$0x0] =	sbarrier.arrive $0xFFFF  }
0x15f: {  	[hbm:s12], [sflag:s24] =	dma.local @!p0 [spmem:s23], $0x28000  }
.Ltmp8:
0x160: {  	_ = 	snop;
	(pc) =	sbr.rel @p1 .LBB2_1-.Ltmp8, $4  }
0x161: {  	s23 =	simm.s32 @!p0 $0x1  }
0x162: {  	_ =	swait.ge @!p0 [sflag:s23], $0x28000  }
0x163: {  	[sflag:s23] =	ssyncset.done @!p0 $0x0  }
0x164: {  	[sflag:s23] =	ssyncadd.s32 @!p0 $0xFFFD8000  }
0x165: {  	_ =	sfence.sel $0x180000  }
0x166: {  	[bflag:$0x0] =	sbarrier.arrive $0xFFFF  }
0x167: {  	_ =	strace $0x9000004A  }
0x168: {  	s0 =	sadd.s32 @!p0 $0x100000, s0;
	[bflag:$0x2] =	sbarrier.arrive $0xFFFF  }
0x169: {  	[sflag:s0] =	ssyncadd.tile.s32 @!p0 $0x1;
	_ =	shalt  }
.Lfunc_end2:
_tile_overlayer_lowered:
.L_overlay_start_2:
0x16a: {  	(tag) =	ssettag $0x2  }
0x16b: {  	s0 =	rddreg [dreg:$0x0];
	s2 =	stileid.u32  }
0x16c: {  	s1 =	rddreg [dreg:$0x1];
	p0 =	sne.s32 s2, $0x0  }
0x16d: {  	s3 =	rddreg [dreg:$0x2];
	[bflag:$0x3] =	sbarrier.arrive $0xFFFF;
	s2 =	simm.s32 @!p0 $0x1C01  }
0x16e: {  	[timem:s3], [sflag:s2] =	dma.local @!p0 [hbm:s0], s1  }
0x16f: {  	s0 =	simm.s32 @!p0 $0x1  }
0x170: {  	_ =	swait.ge @!p0 [sflag:s0], s1  }
0x171: {  	s1 =	ssub.s32 @!p0 $0x0, s1;
	[sflag:s0] =	ssyncset.done @!p0 $0x0  }
0x172: {  	[sflag:s0] =	ssyncadd.s32 @!p0 s1  }
0x173: {  	[bflag:$0x3] =	sbarrier.arrive $0xFFFF  }
0x174: {  	_ =	shalt  }

</sc_bundles>
